<compile_context>
chip_gen: v7x
topology: tpu7x:2x2x1
jax: 0.10.2.dev20260603
libtpu: 0.0.44.dev20260713+nightly
codegen_flags: <defaults>
</compile_context>

<pallas_src>
import jax
import jax.numpy as jnp
from jax import lax
from jax.experimental import pallas as pl
from jax.experimental.pallas import tpu as pltpu
from jax.experimental.pallas import tpu_sc as plsc

_N = 10000
_DEG = 32
_K = 16
_L = 16
_NC = 2
_NS = 16
_NW = _NC * _NS
_NPW = 313
_SIGW = 640


def _body(logits_hbm, edges_hbm, out_hbm, s_v, dst_v, o0_v, o1_v, sh_v,
          sem):
    cid = lax.axis_index("c")
    sid = lax.axis_index("s")
    wid = sid * _NC + cid
    wstart = jnp.minimum(wid * _NPW, _N - _NPW)

    sig_start = jnp.minimum(sid * _SIGW, _N - _SIGW)
    edge_dma = pltpu.async_copy(
        edges_hbm.at[0, pl.ds(wstart * _DEG, _NPW * _DEG)], dst_v, sem)
    pltpu.sync_copy(logits_hbm.at[pl.ds(sig_start, _SIGW)],
                    s_v.at[pl.ds(0, _SIGW)])

    @plsc.parallel_loop(0, _SIGW // _L, unroll=4)
    def sig(i):
        x = s_v[pl.ds(i * _L, _L)]
        s_v[pl.ds(i * _L, _L)] = 1.0 / (1.0 + jnp.exp(-x))

    pltpu.sync_copy(s_v.at[pl.ds(0, _SIGW)],
                    sh_v.at[pl.ds(sig_start, _SIGW)])
    plsc.subcore_barrier()
    pltpu.sync_copy(sh_v, s_v)
    edge_dma.wait()

    @plsc.parallel_loop(0, _NPW, unroll=4)
    def node(i):
        n = wstart + i
        e0 = dst_v[pl.ds(i * _DEG, _L)]
        e1 = dst_v[pl.ds(i * _DEG + _L, _L)]
        sn = plsc.load_gather(s_v, [jnp.full((_L,), n, jnp.int32)])
        r0 = plsc.load_gather(s_v, [e0])
        r1 = plsc.load_gather(s_v, [e1])
        k0 = 1.0 - jnp.abs(r0 - sn)
        k1 = 1.0 - jnp.abs(r1 - sn)
        k0s, v0s = plsc.sort_key_val(k0, e0, descending=True)
        k1s, v1s = plsc.sort_key_val(k1, e1, descending=False)
        m = k0s >= k1s
        kk = jnp.where(m, k0s, k1s)
        vv = jnp.where(m, v0s, v1s)
        _, vs = plsc.sort_key_val(kk, vv, descending=True)
        o0_v[pl.ds(i * _K, _K)] = vs
        o1_v[pl.ds(i * _K, _K)] = jnp.full((_L,), n, jnp.int32)

    pltpu.sync_copy(o0_v, out_hbm.at[0, pl.ds(wstart * _K, _NPW * _K)])
    pltpu.sync_copy(o1_v, out_hbm.at[1, pl.ds(wstart * _K, _NPW * _K)])


_sc_call = pl.kernel(
    _body,
    out_type=jax.ShapeDtypeStruct((2, _N * _K), jnp.int32),
    mesh=plsc.VectorSubcoreMesh(core_axis_name="c", subcore_axis_name="s"),
    compiler_params=pltpu.CompilerParams(
        needs_layout_passes=False, use_tc_tiling_on_sc=False),
    scratch_types=[
        pltpu.VMEM((_N,), jnp.float32),
        pltpu.VMEM((_NPW * _DEG,), jnp.int32),
        pltpu.VMEM((_NPW * _K,), jnp.int32),
        pltpu.VMEM((_NPW * _K,), jnp.int32),
        pltpu.VMEM_SHARED((_N,), jnp.float32),
        pltpu.SemaphoreType.DMA,
    ],
)


@jax.jit
def kernel(logits, edge_index):
    return _sc_call(logits.reshape(_N), edge_index)

# --- scband reference (transcript-rebuilt; emitter-appended) ---
"""Pipeline reference for scband-label-aware-pool-63247688401687 (READ-ONLY COPY).

The authoritative reference and input builder live on the scoring server;
editing this copy changes nothing except your own understanding.
"""

import jax, jax.numpy as jnp
import numpy as np

N = 10000
DEG = 32
RATIO = 0.5
K = int(DEG * RATIO)


def setup_inputs(seed: int = 0) -> dict:
    key = jax.random.key(seed)
    k1, k2 = jax.random.split(key)
    logits = jax.random.normal(k1, (N, 1), dtype=jnp.float32)
    # Build edge_index so that edge_index[1] (the 'source' node in the module's loop)
    # has a uniform degree DEG and edges are grouped by source node. This makes the
    # per-source-node variable-k top-k loop equivalent to a dense [N, DEG] top-k with
    # constant k = int(DEG * RATIO), matching the torch loop's output exactly
    # (same grouping/concat order).
    src = jnp.repeat(jnp.arange(N, dtype=jnp.int32), DEG)            # edge_index[1]
    dst = jax.random.randint(k2, (N * DEG,), 0, N, dtype=jnp.int32)  # edge_index[0]
    edge_index = jnp.stack([dst, src], axis=0)
    return {"logits": logits, "edge_index": edge_index}


def reference(logits, edge_index):
    # logits -> sigmoid -> flatten
    s = jax.nn.sigmoid(logits).reshape(-1)
    # row, col = logits[edge_index]
    row = jnp.take(s, edge_index[0])
    col = jnp.take(s, edge_index[1])
    # L1 distance; similarity = 1 - distance
    sim = 1.0 - jnp.abs(row - col)
    # Per-source-node top-k selection of edges. Edges are grouped by source node
    # with uniform degree DEG, so reshape + batched top_k reproduces the loop:
    #   for source_idx in range(N): topk(similarity[edges of source_idx], k=DEG*ratio)
    sim_r = sim.reshape(N, DEG)
    _, idx = jax.lax.top_k(sim_r, K)                 # [N, K], descending like torch.topk
    e_r = edge_index.reshape(2, N, DEG)
    sel = jnp.take_along_axis(e_r, jnp.broadcast_to(idx[None, :, :], (2, N, K)), axis=2)
    new_edges = sel.reshape(2, N * K)                # concat over source nodes, dim=-1
    return new_edges

if __name__ == "__main__":
    import jax
    _d = setup_inputs()
    print(jax.jit(kernel)(*tuple(_d.values())))

</pallas_src>

<mosaic_0001>
#map = affine_map<(d0, d1) -> (0)>
#map1 = affine_map<(d0, d1) -> (0, 0)>
module attributes {stable_mosaic.version = 14 : i64} {
  func.func @_body(%arg0: i32, %arg1: i32, %arg2: memref<10000xf32, #tpu.memory_space<hbm>>, %arg3: memref<2x320000xi32, #tpu.memory_space<hbm>>, %arg4: memref<2x160000xi32, #tpu.memory_space<hbm>>, %arg5: memref<10000xf32, #tpu.memory_space<vmem>>, %arg6: memref<10016xi32, #tpu.memory_space<vmem>>, %arg7: memref<5008xi32, #tpu.memory_space<vmem>>, %arg8: memref<5008xi32, #tpu.memory_space<vmem>>, %arg9: memref<10000xf32, #tpu.memory_space<vmem_shared>>, %arg10: memref<!tpu.dma_semaphore, #tpu.memory_space<semaphore_mem>>) attributes {dimension_semantics = [#tpu.dimension_semantics<core_parallel>, #tpu.dimension_semantics<subcore_parallel>], iteration_bounds = array<i64: 2, 16>, scalar_prefetch = 0 : i64, scratch_operands = 6 : i64, tpu.core_type = #tpu.core_type<sc_vector_subcore>, window_params = [{transform_indices = #map}, {transform_indices = #map1}, {transform_indices = #map1}]} {
    %mul3A = arith.constant 2 : i32
    %mul3A_0 = arith.muli %arg1, %mul3A : i32
    %add3A = arith.addi %mul3A_0, %arg0 : i32
    %mul3A_1 = arith.constant 313 : i32
    %mul3A_2 = arith.muli %add3A, %mul3A_1 : i32
    %min3A = arith.constant 9687 : i32
    %min3A_3 = arith.minsi %mul3A_2, %min3A : i32
    %mul3A_4 = arith.constant 640 : i32
    %mul3A_5 = arith.muli %arg1, %mul3A_4 : i32
    %min3A_6 = arith.constant 9360 : i32
    %min3A_7 = arith.minsi %mul3A_5, %min3A_6 : i32
    %mul3A_8 = arith.constant 32 : i32
    %mul3A_9 = arith.muli %min3A_3, %mul3A_8 : i32
    %dma_start3A = arith.constant 0 : i32
    %dma_start3A_10 = tpu.memref_slice %arg3[%dma_start3A, %mul3A_9] : memref<2x320000xi32, #tpu.memory_space<hbm>> -> memref<1x10016xi32, #tpu.memory_space<hbm>>
    %dma_start3A_11 = tpu.memref_squeeze %dma_start3A_10 : memref<1x10016xi32, #tpu.memory_space<hbm>> -> memref<10016xi32, #tpu.memory_space<hbm>>
    %dma_start3A_12 = tpu.memref_slice %arg3[%dma_start3A, %mul3A_9] : memref<2x320000xi32, #tpu.memory_space<hbm>> -> memref<1x10016xi32, #tpu.memory_space<hbm>>
    %dma_start3A_13 = tpu.memref_squeeze %dma_start3A_12 : memref<1x10016xi32, #tpu.memory_space<hbm>> -> memref<10016xi32, #tpu.memory_space<hbm>>
    tpu.enqueue_dma source(%dma_start3A_13 : memref<10016xi32, #tpu.memory_space<hbm>>) target(%arg6 : memref<10016xi32, #tpu.memory_space<vmem>>) target_semaphore(%arg10 : memref<!tpu.dma_semaphore, #tpu.memory_space<semaphore_mem>>)
    "tpu.region"() ({
      %run_scoped3A_28 = tpu.sem_alloc : memref<!tpu.dma_semaphore, #tpu.memory_space<semaphore_mem>>
      %dma_start3A_29 = arith.constant 0 : i32
      %dma_start3A_30 = tpu.memref_slice %arg5[%dma_start3A_29] : memref<10000xf32, #tpu.memory_space<vmem>> -> memref<640xf32, #tpu.memory_space<vmem>>
      %dma_start3A_31 = tpu.memref_slice %arg2[%min3A_7] : memref<10000xf32, #tpu.memory_space<hbm>> -> memref<640xf32, #tpu.memory_space<hbm>>
      %dma_start3A_32 = arith.constant 0 : i32
      %dma_start3A_33 = tpu.memref_slice %arg5[%dma_start3A_32] : memref<10000xf32, #tpu.memory_space<vmem>> -> memref<640xf32, #tpu.memory_space<vmem>>
      %dma_start3A_34 = tpu.memref_slice %arg2[%min3A_7] : memref<10000xf32, #tpu.memory_space<hbm>> -> memref<640xf32, #tpu.memory_space<hbm>>
      tpu.enqueue_dma source(%dma_start3A_34 : memref<640xf32, #tpu.memory_space<hbm>>) target(%dma_start3A_33 : memref<640xf32, #tpu.memory_space<vmem>>) target_semaphore(%run_scoped3A_28 : memref<!tpu.dma_semaphore, #tpu.memory_space<semaphore_mem>>)
      %dma_wait3A_35 = arith.constant 0 : i32
      %dma_wait3A_36 = tpu.memref_slice %arg5[%dma_wait3A_35] : memref<10000xf32, #tpu.memory_space<vmem>> -> memref<640xf32, #tpu.memory_space<vmem>>
      %dma_wait3A_37 = tpu.memref_slice %arg2[%min3A_7] : memref<10000xf32, #tpu.memory_space<hbm>> -> memref<640xf32, #tpu.memory_space<hbm>>
      %dma_wait3A_38 = arith.constant 0 : i32
      %dma_wait3A_39 = tpu.memref_slice %arg5[%dma_wait3A_38] : memref<10000xf32, #tpu.memory_space<vmem>> -> memref<640xf32, #tpu.memory_space<vmem>>
      %dma_wait3A_40 = tpu.memref_slice %arg2[%min3A_7] : memref<10000xf32, #tpu.memory_space<hbm>> -> memref<640xf32, #tpu.memory_space<hbm>>
      tpu.wait_dma2 semaphore(%run_scoped3A_28 : memref<!tpu.dma_semaphore, #tpu.memory_space<semaphore_mem>>) src(%dma_wait3A_40 : memref<640xf32, #tpu.memory_space<hbm>>) dst(%dma_wait3A_39 : memref<640xf32, #tpu.memory_space<vmem>>)
      tpu.yield
    }) : () -> ()
    %parallel_loop3A = arith.constant 0 : i32
    %parallel_loop3A_14 = arith.constant 40 : i32
    %parallel_loop3A_15 = arith.constant 1 : i32
    scf.for %parallel_loop3A_28 = %parallel_loop3A to %parallel_loop3A_14 step %parallel_loop3A_15  : i32 {
      %parallel_loop3A_29 = arith.constant 16 : i32
      %parallel_loop3A_30 = arith.muli %parallel_loop3A_28, %parallel_loop3A_29 : i32
      %parallel_loop3A_31 = arith.index_cast %parallel_loop3A_30 : i32 to index
      %parallel_loop3A_32 = tpu.vector_load %arg5[%parallel_loop3A_31] {strides = array<i32>} : memref<10000xf32, #tpu.memory_space<vmem>>, vector<16xf32>,
      %parallel_loop3A_33 = arith.constant 0.000000e+00 : f32
      %parallel_loop3A_34 = vector.broadcast %parallel_loop3A_33 : f32 to vector<16xf32>
      %parallel_loop3A_35 = arith.subf %parallel_loop3A_34, %parallel_loop3A_32 : vector<16xf32>
      %parallel_loop3A_36 = math.exp %parallel_loop3A_35 : vector<16xf32>
      %parallel_loop3A_37 = arith.constant 1.000000e+00 : f32
      %parallel_loop3A_38 = vector.broadcast %parallel_loop3A_37 : f32 to vector<16xf32>
      %parallel_loop3A_39 = arith.addf %parallel_loop3A_38, %parallel_loop3A_36 : vector<16xf32>
      %parallel_loop3A_40 = arith.constant 1.000000e+00 : f32
      %parallel_loop3A_41 = vector.broadcast %parallel_loop3A_40 : f32 to vector<16xf32>
      %parallel_loop3A_42 = arith.divf %parallel_loop3A_41, %parallel_loop3A_39 : vector<16xf32>
      %parallel_loop3A_43 = arith.constant 16 : i32
      %parallel_loop3A_44 = arith.muli %parallel_loop3A_28, %parallel_loop3A_43 : i32
      %parallel_loop3A_45 = arith.index_cast %parallel_loop3A_44 : i32 to index
      %parallel_loop3A_46 = tpu.vector_load %arg5[%parallel_loop3A_45] {strides = array<i32>} : memref<10000xf32, #tpu.memory_space<vmem>>, vector<16xf32>,
      tpu.vector_store %arg5[%parallel_loop3A_45], %parallel_loop3A_42 {strides = array<i32>} : memref<10000xf32, #tpu.memory_space<vmem>>, vector<16xf32>,
    } {sc.loop_unroll_factor = 4 : i64, sc.parallel_access}
    "tpu.region"() ({
      %run_scoped3A_28 = tpu.sem_alloc : memref<!tpu.dma_semaphore, #tpu.memory_space<semaphore_mem>>
      %dma_start3A_29 = arith.constant 0 : i32
      %dma_start3A_30 = tpu.memref_slice %arg5[%dma_start3A_29] : memref<10000xf32, #tpu.memory_space<vmem>> -> memref<640xf32, #tpu.memory_space<vmem>>
      %dma_start3A_31 = tpu.memref_slice %arg9[%min3A_7] : memref<10000xf32, #tpu.memory_space<vmem_shared>> -> memref<640xf32, #tpu.memory_space<vmem_shared>>
      %dma_start3A_32 = tpu.memref_slice %arg9[%min3A_7] : memref<10000xf32, #tpu.memory_space<vmem_shared>> -> memref<640xf32, #tpu.memory_space<vmem_shared>>
      %dma_start3A_33 = arith.constant 0 : i32
      %dma_start3A_34 = tpu.memref_slice %arg5[%dma_start3A_33] : memref<10000xf32, #tpu.memory_space<vmem>> -> memref<640xf32, #tpu.memory_space<vmem>>
      tpu.enqueue_dma source(%dma_start3A_34 : memref<640xf32, #tpu.memory_space<vmem>>) target(%dma_start3A_32 : memref<640xf32, #tpu.memory_space<vmem_shared>>) target_semaphore(%run_scoped3A_28 : memref<!tpu.dma_semaphore, #tpu.memory_space<semaphore_mem>>)
      %dma_wait3A_35 = arith.constant 0 : i32
      %dma_wait3A_36 = tpu.memref_slice %arg5[%dma_wait3A_35] : memref<10000xf32, #tpu.memory_space<vmem>> -> memref<640xf32, #tpu.memory_space<vmem>>
      %dma_wait3A_37 = tpu.memref_slice %arg9[%min3A_7] : memref<10000xf32, #tpu.memory_space<vmem_shared>> -> memref<640xf32, #tpu.memory_space<vmem_shared>>
      %dma_wait3A_38 = tpu.memref_slice %arg9[%min3A_7] : memref<10000xf32, #tpu.memory_space<vmem_shared>> -> memref<640xf32, #tpu.memory_space<vmem_shared>>
      %dma_wait3A_39 = arith.constant 0 : i32
      %dma_wait3A_40 = tpu.memref_slice %arg5[%dma_wait3A_39] : memref<10000xf32, #tpu.memory_space<vmem>> -> memref<640xf32, #tpu.memory_space<vmem>>
      tpu.wait_dma2 semaphore(%run_scoped3A_28 : memref<!tpu.dma_semaphore, #tpu.memory_space<semaphore_mem>>) src(%dma_wait3A_40 : memref<640xf32, #tpu.memory_space<vmem>>) dst(%dma_wait3A_38 : memref<640xf32, #tpu.memory_space<vmem_shared>>)
      tpu.yield
    }) : () -> ()
    %barrier3A = arith.constant 0 : index
    tpu.barrier barrier_id(%barrier3A)
    "tpu.region"() ({
      %run_scoped3A_28 = tpu.sem_alloc : memref<!tpu.dma_semaphore, #tpu.memory_space<semaphore_mem>>
      tpu.enqueue_dma source(%arg9 : memref<10000xf32, #tpu.memory_space<vmem_shared>>) target(%arg5 : memref<10000xf32, #tpu.memory_space<vmem>>) target_semaphore(%run_scoped3A_28 : memref<!tpu.dma_semaphore, #tpu.memory_space<semaphore_mem>>)
      tpu.wait_dma2 semaphore(%run_scoped3A_28 : memref<!tpu.dma_semaphore, #tpu.memory_space<semaphore_mem>>) src(%arg9 : memref<10000xf32, #tpu.memory_space<vmem_shared>>) dst(%arg5 : memref<10000xf32, #tpu.memory_space<vmem>>)
      tpu.yield
    }) : () -> ()
    %dma_wait3A = arith.constant 0 : i32
    %dma_wait3A_16 = tpu.memref_slice %arg3[%dma_wait3A, %mul3A_9] : memref<2x320000xi32, #tpu.memory_space<hbm>> -> memref<1x10016xi32, #tpu.memory_space<hbm>>
    %dma_wait3A_17 = tpu.memref_squeeze %dma_wait3A_16 : memref<1x10016xi32, #tpu.memory_space<hbm>> -> memref<10016xi32, #tpu.memory_space<hbm>>
    %dma_wait3A_18 = tpu.memref_slice %arg3[%dma_wait3A, %mul3A_9] : memref<2x320000xi32, #tpu.memory_space<hbm>> -> memref<1x10016xi32, #tpu.memory_space<hbm>>
    %dma_wait3A_19 = tpu.memref_squeeze %dma_wait3A_18 : memref<1x10016xi32, #tpu.memory_space<hbm>> -> memref<10016xi32, #tpu.memory_space<hbm>>
    tpu.wait_dma2 semaphore(%arg10 : memref<!tpu.dma_semaphore, #tpu.memory_space<semaphore_mem>>) src(%dma_wait3A_19 : memref<10016xi32, #tpu.memory_space<hbm>>) dst(%arg6 : memref<10016xi32, #tpu.memory_space<vmem>>)
    %parallel_loop3A_20 = arith.constant 0 : i32
    %parallel_loop3A_21 = arith.constant 313 : i32
    %parallel_loop3A_22 = arith.constant 1 : i32
    scf.for %parallel_loop3A_28 = %parallel_loop3A_20 to %parallel_loop3A_21 step %parallel_loop3A_22  : i32 {
      %parallel_loop3A_29 = arith.addi %min3A_3, %parallel_loop3A_28 : i32
      %parallel_loop3A_30 = arith.constant 32 : i32
      %parallel_loop3A_31 = arith.muli %parallel_loop3A_28, %parallel_loop3A_30 : i32
      %parallel_loop3A_32 = arith.index_cast %parallel_loop3A_31 : i32 to index
      %parallel_loop3A_33 = tpu.vector_load %arg6[%parallel_loop3A_32] {strides = array<i32>} : memref<10016xi32, #tpu.memory_space<vmem>>, vector<16xi32>,
      %parallel_loop3A_34 = arith.constant 32 : i32
      %parallel_loop3A_35 = arith.muli %parallel_loop3A_28, %parallel_loop3A_34 : i32
      %parallel_loop3A_36 = arith.constant 16 : i32
      %parallel_loop3A_37 = arith.addi %parallel_loop3A_35, %parallel_loop3A_36 : i32
      %parallel_loop3A_38 = arith.index_cast %parallel_loop3A_37 : i32 to index
      %parallel_loop3A_39 = tpu.vector_load %arg6[%parallel_loop3A_38] {strides = array<i32>} : memref<10016xi32, #tpu.memory_space<vmem>>, vector<16xi32>,
      %parallel_loop3A_40 = vector.broadcast %parallel_loop3A_29 : i32 to vector<16xi32>
      %parallel_loop3A_41 = tpu.vector_load_idx %arg5[%parallel_loop3A_40] : memref<10000xf32, #tpu.memory_space<vmem>>[vector<16xi32>], vector<16xf32>,
      %parallel_loop3A_42 = tpu.vector_load_idx %arg5[%parallel_loop3A_33] : memref<10000xf32, #tpu.memory_space<vmem>>[vector<16xi32>], vector<16xf32>,
      %parallel_loop3A_43 = tpu.vector_load_idx %arg5[%parallel_loop3A_39] : memref<10000xf32, #tpu.memory_space<vmem>>[vector<16xi32>], vector<16xf32>,
      %parallel_loop3A_44 = arith.subf %parallel_loop3A_42, %parallel_loop3A_41 : vector<16xf32>
      %parallel_loop3A_45 = math.absf %parallel_loop3A_44 : vector<16xf32>
      %parallel_loop3A_46 = arith.constant 1.000000e+00 : f32
      %parallel_loop3A_47 = vector.broadcast %parallel_loop3A_46 : f32 to vector<16xf32>
      %parallel_loop3A_48 = arith.subf %parallel_loop3A_47, %parallel_loop3A_45 : vector<16xf32>
      %parallel_loop3A_49 = arith.subf %parallel_loop3A_43, %parallel_loop3A_41 : vector<16xf32>
      %parallel_loop3A_50 = math.absf %parallel_loop3A_49 : vector<16xf32>
      %parallel_loop3A_51 = arith.constant 1.000000e+00 : f32
      %parallel_loop3A_52 = vector.broadcast %parallel_loop3A_51 : f32 to vector<16xf32>
      %parallel_loop3A_53 = arith.subf %parallel_loop3A_52, %parallel_loop3A_50 : vector<16xf32>
      %parallel_loop3A_54 = arith.constant dense<true> : vector<16xi1>
      %parallel_loop3A_55, %parallel_loop3A_56, %parallel_loop3A_57 = tpu.sort %parallel_loop3A_48, %parallel_loop3A_33 masked %parallel_loop3A_54 {descending = true} : (vector<16xf32>, vector<16xi32>, vector<16xi1>) -> (vector<16xi1>, vector<16xf32>, vector<16xi32>)
      %parallel_loop3A_58 = arith.constant dense<true> : vector<16xi1>
      %parallel_loop3A_59, %parallel_loop3A_60, %parallel_loop3A_61 = tpu.sort %parallel_loop3A_53, %parallel_loop3A_39 masked %parallel_loop3A_58 : (vector<16xf32>, vector<16xi32>, vector<16xi1>) -> (vector<16xi1>, vector<16xf32>, vector<16xi32>)
      %parallel_loop3A_62 = arith.cmpf oge, %parallel_loop3A_56, %parallel_loop3A_60 : vector<16xf32>
      %parallel_loop3A_63 = arith.select %parallel_loop3A_62, %parallel_loop3A_56, %parallel_loop3A_60 : vector<16xi1>, vector<16xf32>
      %parallel_loop3A_64 = arith.select %parallel_loop3A_62, %parallel_loop3A_57, %parallel_loop3A_61 : vector<16xi1>, vector<16xi32>
      %parallel_loop3A_65 = arith.constant dense<true> : vector<16xi1>
      %parallel_loop3A_66, %parallel_loop3A_67, %parallel_loop3A_68 = tpu.sort %parallel_loop3A_63, %parallel_loop3A_64 masked %parallel_loop3A_65 {descending = true} : (vector<16xf32>, vector<16xi32>, vector<16xi1>) -> (vector<16xi1>, vector<16xf32>, vector<16xi32>)
      %parallel_loop3A_69 = arith.constant 16 : i32
      %parallel_loop3A_70 = arith.muli %parallel_loop3A_28, %parallel_loop3A_69 : i32
      %parallel_loop3A_71 = arith.index_cast %parallel_loop3A_70 : i32 to index
      %parallel_loop3A_72 = tpu.vector_load %arg7[%parallel_loop3A_71] {strides = array<i32>} : memref<5008xi32, #tpu.memory_space<vmem>>, vector<16xi32>,
      tpu.vector_store %arg7[%parallel_loop3A_71], %parallel_loop3A_68 {strides = array<i32>} : memref<5008xi32, #tpu.memory_space<vmem>>, vector<16xi32>,
      %parallel_loop3A_73 = vector.broadcast %parallel_loop3A_29 : i32 to vector<16xi32>
      %parallel_loop3A_74 = arith.constant 16 : i32
      %parallel_loop3A_75 = arith.muli %parallel_loop3A_28, %parallel_loop3A_74 : i32
      %parallel_loop3A_76 = arith.index_cast %parallel_loop3A_75 : i32 to index
      %parallel_loop3A_77 = tpu.vector_load %arg8[%parallel_loop3A_76] {strides = array<i32>} : memref<5008xi32, #tpu.memory_space<vmem>>, vector<16xi32>,
      tpu.vector_store %arg8[%parallel_loop3A_76], %parallel_loop3A_73 {strides = array<i32>} : memref<5008xi32, #tpu.memory_space<vmem>>, vector<16xi32>,
    } {sc.loop_unroll_factor = 4 : i64, sc.parallel_access}
    %mul3A_23 = arith.constant 16 : i32
    %mul3A_24 = arith.muli %min3A_3, %mul3A_23 : i32
    %run_scoped3A = arith.constant 0 : i32
    "tpu.region"() ({
      %run_scoped3A_28 = tpu.sem_alloc : memref<!tpu.dma_semaphore, #tpu.memory_space<semaphore_mem>>
      %dma_start3A_29 = tpu.memref_slice %arg4[%run_scoped3A, %mul3A_24] : memref<2x160000xi32, #tpu.memory_space<hbm>> -> memref<1x5008xi32, #tpu.memory_space<hbm>>
      %dma_start3A_30 = tpu.memref_squeeze %dma_start3A_29 : memref<1x5008xi32, #tpu.memory_space<hbm>> -> memref<5008xi32, #tpu.memory_space<hbm>>
      %dma_start3A_31 = tpu.memref_slice %arg4[%run_scoped3A, %mul3A_24] : memref<2x160000xi32, #tpu.memory_space<hbm>> -> memref<1x5008xi32, #tpu.memory_space<hbm>>
      %dma_start3A_32 = tpu.memref_squeeze %dma_start3A_31 : memref<1x5008xi32, #tpu.memory_space<hbm>> -> memref<5008xi32, #tpu.memory_space<hbm>>
      tpu.enqueue_dma source(%arg7 : memref<5008xi32, #tpu.memory_space<vmem>>) target(%dma_start3A_32 : memref<5008xi32, #tpu.memory_space<hbm>>) target_semaphore(%run_scoped3A_28 : memref<!tpu.dma_semaphore, #tpu.memory_space<semaphore_mem>>)
      %dma_wait3A_33 = tpu.memref_slice %arg4[%run_scoped3A, %mul3A_24] : memref<2x160000xi32, #tpu.memory_space<hbm>> -> memref<1x5008xi32, #tpu.memory_space<hbm>>
      %dma_wait3A_34 = tpu.memref_squeeze %dma_wait3A_33 : memref<1x5008xi32, #tpu.memory_space<hbm>> -> memref<5008xi32, #tpu.memory_space<hbm>>
      %dma_wait3A_35 = tpu.memref_slice %arg4[%run_scoped3A, %mul3A_24] : memref<2x160000xi32, #tpu.memory_space<hbm>> -> memref<1x5008xi32, #tpu.memory_space<hbm>>
      %dma_wait3A_36 = tpu.memref_squeeze %dma_wait3A_35 : memref<1x5008xi32, #tpu.memory_space<hbm>> -> memref<5008xi32, #tpu.memory_space<hbm>>
      tpu.wait_dma2 semaphore(%run_scoped3A_28 : memref<!tpu.dma_semaphore, #tpu.memory_space<semaphore_mem>>) src(%arg7 : memref<5008xi32, #tpu.memory_space<vmem>>) dst(%dma_wait3A_36 : memref<5008xi32, #tpu.memory_space<hbm>>)
      tpu.yield
    }) : () -> ()
    %mul3A_25 = arith.constant 16 : i32
    %mul3A_26 = arith.muli %min3A_3, %mul3A_25 : i32
    %run_scoped3A_27 = arith.constant 1 : i32
    "tpu.region"() ({
      %run_scoped3A_28 = tpu.sem_alloc : memref<!tpu.dma_semaphore, #tpu.memory_space<semaphore_mem>>
      %dma_start3A_29 = tpu.memref_slice %arg4[%run_scoped3A_27, %mul3A_26] : memref<2x160000xi32, #tpu.memory_space<hbm>> -> memref<1x5008xi32, #tpu.memory_space<hbm>>
      %dma_start3A_30 = tpu.memref_squeeze %dma_start3A_29 : memref<1x5008xi32, #tpu.memory_space<hbm>> -> memref<5008xi32, #tpu.memory_space<hbm>>
      %dma_start3A_31 = tpu.memref_slice %arg4[%run_scoped3A_27, %mul3A_26] : memref<2x160000xi32, #tpu.memory_space<hbm>> -> memref<1x5008xi32, #tpu.memory_space<hbm>>
      %dma_start3A_32 = tpu.memref_squeeze %dma_start3A_31 : memref<1x5008xi32, #tpu.memory_space<hbm>> -> memref<5008xi32, #tpu.memory_space<hbm>>
      tpu.enqueue_dma source(%arg8 : memref<5008xi32, #tpu.memory_space<vmem>>) target(%dma_start3A_32 : memref<5008xi32, #tpu.memory_space<hbm>>) target_semaphore(%run_scoped3A_28 : memref<!tpu.dma_semaphore, #tpu.memory_space<semaphore_mem>>)
      %dma_wait3A_33 = tpu.memref_slice %arg4[%run_scoped3A_27, %mul3A_26] : memref<2x160000xi32, #tpu.memory_space<hbm>> -> memref<1x5008xi32, #tpu.memory_space<hbm>>
      %dma_wait3A_34 = tpu.memref_squeeze %dma_wait3A_33 : memref<1x5008xi32, #tpu.memory_space<hbm>> -> memref<5008xi32, #tpu.memory_space<hbm>>
      %dma_wait3A_35 = tpu.memref_slice %arg4[%run_scoped3A_27, %mul3A_26] : memref<2x160000xi32, #tpu.memory_space<hbm>> -> memref<1x5008xi32, #tpu.memory_space<hbm>>
      %dma_wait3A_36 = tpu.memref_squeeze %dma_wait3A_35 : memref<1x5008xi32, #tpu.memory_space<hbm>> -> memref<5008xi32, #tpu.memory_space<hbm>>
      tpu.wait_dma2 semaphore(%run_scoped3A_28 : memref<!tpu.dma_semaphore, #tpu.memory_space<semaphore_mem>>) src(%arg8 : memref<5008xi32, #tpu.memory_space<vmem>>) dst(%dma_wait3A_36 : memref<5008xi32, #tpu.memory_space<hbm>>)
      tpu.yield
    }) : () -> ()
    return
  }
}

</mosaic_0001>

<sc_bundles>
// kernel: kernel.3.cloned.1.call-start
scs
__scs_entry_jumppad:
0x0: {  	(pc) =	sbr.rel $0x88, $3  }
0x1: {  	(tag) =	ssettag $0x0;
	lr =	simm.s32 $0x1  }
0x2: {  	[smem:$0x3F9F] =	sst lr;
	_ =	strace $0xD0000000  }
0x3: {  	_ = 	snop  }
0x4: {  	_ = 	snop  }
0x5: {  	_ = 	snop  }
0x6: {  	_ = 	snop  }
0x7: {  	_ = 	snop  }
__scs_overlays_trampoline_lowered:
0x8: {  	[smem:$0x3FAE] =	sst s0  }
0x9: {  	[smem:$0x3FAF] =	sst s1  }
0xa: {  	[smem:$0x3FB0] =	sst s2  }
0xb: {  	[smem:$0x3FB1] =	sst s3  }
0xc: {  	[smem:$0x3FB2] =	sst s4  }
0xd: {  	[smem:$0x3FB3] =	sst s5  }
0xe: {  	[smem:$0x3FB4] =	sst s6  }
0xf: {  	[smem:$0x3FB5] =	sst s7  }
0x10: {  	[smem:$0x3FB6] =	sst s8  }
0x11: {  	[smem:$0x3FB7] =	sst s9;
	s0 =	simm.s32 @!p0 $0x0  }
0x12: {  	s1 =	sld [smem:$0x3F9D];
	s0 =	simm.s32 @p0 $0x1  }
0x13: {  	[smem:$0x3FB8] =	sst s0;
	s0 =	simm.s32 @!p1 $0x0  }
0x14: {  	s2 =	sld [smem:$0x3F9C];
	s0 =	simm.s32 @p1 $0x1  }
0x15: {  	[smem:$0x3FB9] =	sst s0;
	s0 =	simm.s32 @!p2 $0x0  }
0x16: {  	s3 =	sld [smem:$0x3FDB];
	s0 =	simm.s32 @p2 $0x1  }
0x17: {  	s4 =	simm.s32 $0x1BF5;
	[smem:$0x3FBB] =	sst s0  }
0x18: {  	s0 =	sld [smem:$0x3F9E];
	_ =	swait.ge [sflag:s4], $0x0  }
0x19: {  	s7 =	sld [smem:$0x3F9F]  }
0x1a: {  	s8 =	sadd.s32 $0xFFFFE003, lr  }
0x1b: {  	s9 =	sadd.s32 $0xFFFFFEF7, lr;
	s5 =	simm.s32 $0xFFFFFFFF;
	p2 =	slt.u32 s8, $0xFFFFF086  }
0x1c: {  	p1 =	slt.u32 s9, $0xF7A;
	s5 =	simm.s32 @!p2 $0x0  }
0x1d: {  	s5 =	simm.s32 @p1 $0x1;
	p0 =	seq.s32 s7, s2  }
0x1e: {  	s7 =	smul.u32 @!p0 $0xF7A, s2;
	p2 =	seq.s32 @!p0 s5, $0x0  }
0x1f: {  	s9 =	smul.u32 $0xF7A, s1;
	s8 =	simm.s32 @!p0 $0x1BF5;
	p2 =	por !p2, p0  }
0x20: {  	[sflag:s8] =	ssyncset.s32 @!p0 $0xFFFFF086;
	s6 =	sadd.s32 @!p0 s3, s7;
	s7 =	simm.s32 @!p0 $0x108  }
0x21: {  	s3 =	sadd.s32 s3, s9;
	s6 =	sadd.s32 @!p0 $0x88, s6;
	s7 =	simm.s32 @p2 $0x1082  }
0x22: {  	[simem:s7], [sflag:s8] =	dma.local @!p0 [hbm:s6], $0xF7A  }
0x23: {  	s9 =	sor.u32 $0xD0000000, s2;
	s6 =	simm.s32 $0x108;
	_ =	swait.ge @!p0 [sflag:s8], $0x0  }
0x24: {  	s3 =	sadd.s32 $0x88, s3;
	s6 =	simm.s32 @!p1 $0x1082;
	[sflag:s4] =	ssyncset.s32 $0xFFFFF086  }
0x25: {  	[simem:s6], [sflag:s4] =	dma.local [hbm:s3], $0xF7A  }
0x26: {  	[smem:$0x3F9F] =	sst s1;
	(tag) =	ssettag s2;
	_ =	strace s9  }
0x27: {  	s1 =	sld [smem:$0x3FAF]  }
0x28: {  	s2 =	sld [smem:$0x3FB0]  }
0x29: {  	s4 =	sld [smem:$0x3FB2]  }
0x2a: {  	p0 =	seq.s32 s5, $0x0;
	s5 =	sld [smem:$0x3FB3]  }
0x2b: {  	s6 =	sld [smem:$0x3FB4]  }
0x2c: {  	s7 =	sld [smem:$0x3FB5]  }
0x2d: {  	s3 =	simm.s32 $0x108;
	s8 =	sld [smem:$0x3FB6]  }
0x2e: {  	s3 =	simm.s32 @!p0 $0x1082;
	s9 =	sld [smem:$0x3FB7]  }
0x2f: {  	lr =	sadd.s32 s0, s3;
	s0 =	sld [smem:$0x3FAE]  }
0x30: {  	s3 =	sld [smem:$0x3FB1]  }
0x31: {  	[smem:$0x3FBA] =	sst s10  }
0x32: {  	s10 =	sld [smem:$0x3FB8];
	_ =	sdelay $0x3  }
0x33: {  	p0 =	seq.s32 s10, $0x1;
	s10 =	sld [smem:$0x3FBA];
	_ =	sdelay $0x3  }
0x34: {  	[smem:$0x3FBA] =	sst s10  }
0x35: {  	s10 =	sld [smem:$0x3FB9];
	_ =	sdelay $0x3  }
0x36: {  	p1 =	seq.s32 s10, $0x1;
	s10 =	sld [smem:$0x3FBA];
	_ =	sdelay $0x3  }
0x37: {  	[smem:$0x3FBA] =	sst s10  }
0x38: {  	s10 =	sld [smem:$0x3FBB]  }
0x39: {  	_ = 	snop;
	(pc) =	sbr.ind lr, $3  }
0x3a: {  	_ = 	snop  }
0x3b: {  	_ = 	snop  }
0x3c: {  	p2 =	seq.s32 s10, $0x1;
	s10 =	sld [smem:$0x3FBA]  }
0x3d: {  	_ =	shalt  }
0x3e: {  	_ =	shalt  }
0x3f: {  	_ =	shalt  }
0x40: {  	_ =	shalt  }
0x41: {  	_ =	shalt  }
0x42: {  	_ =	shalt  }
0x43: {  	_ =	shalt  }
0x44: {  	_ =	shalt  }
0x45: {  	_ =	shalt  }
0x46: {  	_ =	shalt  }
0x47: {  	_ =	shalt  }
0x48: {  	_ =	shalt  }
0x49: {  	_ =	shalt  }
0x4a: {  	_ =	shalt  }
0x4b: {  	_ =	shalt  }
0x4c: {  	_ =	shalt  }
0x4d: {  	_ =	shalt  }
0x4e: {  	_ =	shalt  }
0x4f: {  	_ =	shalt  }
0x50: {  	_ =	shalt  }
0x51: {  	_ =	shalt  }
0x52: {  	_ =	shalt  }
0x53: {  	_ =	shalt  }
0x54: {  	_ =	shalt  }
0x55: {  	_ =	shalt  }
0x56: {  	_ =	shalt  }
0x57: {  	_ =	shalt  }
0x58: {  	_ =	shalt  }
0x59: {  	_ =	shalt  }
0x5a: {  	_ =	shalt  }
0x5b: {  	_ =	shalt  }
0x5c: {  	_ =	shalt  }
0x5d: {  	_ =	shalt  }
0x5e: {  	_ =	shalt  }
0x5f: {  	_ =	shalt  }
0x60: {  	_ =	shalt  }
0x61: {  	_ =	shalt  }
0x62: {  	_ =	shalt  }
0x63: {  	_ =	shalt  }
0x64: {  	_ =	shalt  }
0x65: {  	_ =	shalt  }
0x66: {  	_ =	shalt  }
0x67: {  	_ =	shalt  }
0x68: {  	_ =	shalt  }
0x69: {  	_ =	shalt  }
0x6a: {  	_ =	shalt  }
0x6b: {  	_ =	shalt  }
0x6c: {  	_ =	shalt  }
0x6d: {  	_ =	shalt  }
0x6e: {  	_ =	shalt  }
0x6f: {  	_ =	shalt  }
0x70: {  	_ =	shalt  }
0x71: {  	_ =	shalt  }
0x72: {  	_ =	shalt  }
0x73: {  	_ =	shalt  }
0x74: {  	_ =	shalt  }
0x75: {  	_ =	shalt  }
0x76: {  	_ =	shalt  }
0x77: {  	_ =	shalt  }
0x78: {  	_ =	shalt  }
0x79: {  	_ =	shalt  }
0x7a: {  	_ =	shalt  }
0x7b: {  	_ =	shalt  }
0x7c: {  	_ =	shalt  }
0x7d: {  	_ =	shalt  }
0x7e: {  	_ =	shalt  }
0x7f: {  	_ =	shalt  }
0x80: {  	_ =	shalt  }
0x81: {  	_ =	shalt  }
0x82: {  	_ =	shalt  }
0x83: {  	_ =	shalt  }
0x84: {  	_ =	shalt  }
0x85: {  	_ =	shalt  }
0x86: {  	_ =	shalt  }
0x87: {  	_ =	shalt  }
.Lfunc_end0:
.L_simem_size_0:
called_computation_lowered:
.L_overlay_start_0:
0x88: {  	s2 =	sld [smem:$0x3FD9]  }
0x89: {  	s3 =	sld [smem:$0x3FFE];
	_ =	sdelay $0x1  }
0x8a: {  	s1 =	srdreg.scid  }
0x8b: {  	s0 =	sand.u32 $0x1, s1  }
0x8c: {  	s17 =	sshll.u32 s0, $0xA;
	s2 =	sadd.s32 s3, s2  }
0x8d: {  	s2 =	sadd.s32 s2, s17  }
0x8e: {  	[smem:$0x3FC6] =	sst s2  }
0x8f: {  	_ = 	snop  }
0x90: {  	s2 =	sld [smem:$0x3FD0];
	(tm) =	ssettm $0x1  }
0x91: {  	s18 =	sld [smem:$0x3FFB];
	_ =	sdelay $0x3  }
0x92: {  	_ =	strace s18  }
0x93: {  	s3 =	sld [smem:$0x3FFC];
	_ =	sdelay $0x3  }
0x94: {  	_ =	strace s3  }
0x95: {  	s3 =	sld [smem:$0x3FFD];
	_ =	sdelay $0x3  }
0x96: {  	_ =	strace s3  }
0x97: {  	_ =	strace $0x8FFFFFFF  }
0x98: {  	s19 =	sld [smem:$0x3FDB];
	_ =	sdelay $0x1  }
0x99: {  	s4 =	simm.s32 $_scs_section_size  }
0x9a: {  	s5 =	simm.s32 $_size__tile_overlayer_lowered;
	s6 =	simm.s32 $_tile_overlayer_lowered  }
0x9b: {  	s22 =	simm.s32 $0x1BFF;
	s21 =	sshll.u32 s6, $0x1;
	s3 =	sadd.s32 s4, s19  }
0x9c: {  	s7 =	simm.s32 $0x0;
	s20 =	sshll.u32 s5, $0x1;
	s5 =	sadd.s32 s21, s3  }
0x9d: {  	[timem:s7], [sflag:s22] =	dma.local [hbm:s5], s20  }
0x9e: {  	_ =	swait.ge [sflag:s22], s20  }
0x9f: {  	s4 =	ssub.s32 $0x0, s20;
	[sflag:s22] =	ssyncset.done $0x0  }
0xa0: {  	[sflag:s22] =	ssyncadd.s32 s4;
	_ =	sdelay $0x1  }
0xa1: {  	s23 =	simm.s32 $0x1B8B  }
0xa2: {  	_ =	swait.ge [sflag:s23], $0x1  }
0xa3: {  	[sflag:s23] =	ssyncset.done $0x0  }
0xa4: {  	s25 =	simm.s32 $0x1B8E;
	s24 =	sld [smem:$0x3FFE];
	[sflag:s23] =	ssyncadd.s32 $0xFFFFFFFF  }
0xa5: {  	s26 =	simm.s32 $execute0_lowered;
	[smem:$0x3FD2] =	sst s25  }
0xa6: {  	s5 =	sshll.u32 s26, $0x1;
	_ =	strace $0x80000046;
	[dreg:$0x1] =	wrdreg $0xFFFFFFFF  }
0xa7: {  	s28 =	simm.s32 $_size_execute0_lowered;
	s3 =	sadd.s32 s3, s5;
	[dreg:$0x0] =	wrdreg $0x0  }
0xa8: {  	s5 =	sshll.u32 s28, $0x1;
	[dreg:$0x2] =	wrdreg s3  }
0xa9: {  	[dreg:$0x3] =	wrdreg s5  }
0xaa: {  	[dreg:$0x4] =	wrdreg $0xC0  }
0xab: {  	_ =	task [dreg:s7], $0x5FFFF  }
0xac: {  	[dreg:$0x1] =	wrdreg $0xFFFFFFFF  }
0xad: {  	[dreg:$0x0] =	wrdreg $0x60  }
0xae: {  	[dreg:$0x2] =	wrdreg s2  }
0xaf: {  	[dreg:$0x3] =	wrdreg s24  }
0xb0: {  	[dreg:$0x4] =	wrdreg $0x75500  }
0xb1: {  	[dreg:$0x5] =	wrdreg $0x9  }
0xb2: {  	_ =	task.clear_ibuf [dreg:s7], $0x6FFFF;
	_ =	strace $0x90000046  }
0xb3: {  	s29 =	simm.s32 $0x9;
	_ =	strace $0x80000048  }
0xb4: {  	_ =	swait.ge [sflag:s29], $0x1  }
0xb5: {  	[sflag:s29] =	ssyncadd.s32 $0xFFFFFFFF  }
0xb6: {  	_ =	strace $0x90000048  }
0xb7: {  	_ =	sfence  }
0xb8: {  	s30 =	sld [smem:$0x0];
	_ =	sdelay $0x2  }
0xb9: {  	s31 =	sshll.u32 s1, $0xD;
	s1 =	sshrl.u32 s1, $0x2  }
0xba: {  	s3 =	sand.u32 $0x4000, s31;
	s1 =	sadd.s32 s1, s30  }
0xbb: {  	s0 =	sor.u32 s3, s0;
	s1 =	sshll.u32 s1, $0x11  }
0xbc: {  	s0 =	sor.u32 s1, s0  }
0xbd: {  	s0 =	sadd.s32 $0x8F2B, s0  }
0xbe: {  	[sflag:s0] =	ssyncadd.remote.s32 $0x1  }
0xbf: {  	_ =	sfence.sel $0xFFFF  }
0xc0: {  	[dreg:$0x0] =	wrdreg $0xFFFFFFFF;
	(pc) =	sbr.abs _section_cstart, $3  }
0xc1: {  	[dreg:$0x1] =	wrdreg $0xFFFFFFFF  }
0xc2: {  	_ =	task.clear_ibuf [dreg:s7], $0x2FFFF;
	_ =	strace $0x9FFFFFFF  }
0xc3: {  	(tm) =	ssettm $0x7FFFFFFF  }
tec
execute0_lowered:
.L_overlay_start_1:
0x0: {  	(tag) =	ssettag $0x1  }
0x1: {  	s5 =	rddreg [dreg:$0x0]  }
0x2: {  	s1 =	srdreg.scid;
	s4 =	rddreg [dreg:$0x1]  }
0x3: {  	s0 =	stileid.u32;
	s2 =	rddreg [dreg:$0x2]  }
0x4: {  	s3 =	simm.s32 $0x0;
	s16 =	simm.s32 $0x0;
	s6 =	sand.u32 $0x1, s1  }
0x5: {  	s29 =	sshll.u32 s0, $0x1;
	s1 =	rddreg [dreg:$0x3];
	s10 =	smul.u32 $0x280, s0  }
0x6: {  	[smem:$0x7FF] =	sst s3;
	s12 =	smul.u32 $0x272, s0;
	s7 =	sor.u32 s6, s29  }
0x7: {  	_ =	strace $0x80000047;
	s30 =	ssub.s32 $0x2, s6;
	s14 =	smul.u32 $0x139, s6  }
0x8: {  	s7 =	smul.u32 $0x139, s7;
	s11 =	sshrl.u32 s30, $0x1;
	s10 =	smin.u32 s10, $0x2490  }
0x9: {  	s11 =	ssub.s32 s30, s11;
	s13 =	sshrl.u32 s10, $0x3;
	s6 =	sadd.s32 s10, s2  }
0xa: {  	s31 =	sadd.s32 s14, s12;
	s12 =	simm.s32 $0x2;
	s14 =	simm.s32 $0x4E30  }
0xb: {  	s7 =	smin.u32 s7, $0x25D7;
	s5 =	sadd.s32 s5, s13;
	s10 =	smin.u32 s31, $0x25D7  }
0xc: {  	s13 =	simm.s32 $0x1;
	s8 =	sshll.u32 s7, $0x2;
	s9 =	sshll.u32 s7, $0x1  }
0xd: {  	s15 =	sadd.s32 $0x138, s7;
	s8 =	sadd.s32 s8, s4;
	s9 =	sadd.s32 s9, s4  }
0xe: {  	v0 =	vmov s15;
	s15 =	simm.s32 $0x61C0;
	s4 =	sadd.s32 $0x200, s8;
	s7 =	sadd.s32 $0x13C00, s9  }
0xf: {  	s8 =	sadd.s32 $0x18A20, s9;
	s9 =	smax.u32 s11, $0x1;
	s11 =	simm.s32 $0x2710  }
.LBB2_1:
0x10: {  	[tilespmem:s11], [sflag:$0x1] =	stream.linear.gather [hbm4b:s4+s3], $0x2720, $0x38;
	[tilespmem:$0x77C8] =	vst v63  }
0x11: {  	_ = 	snop  }
0x12: {  	[tilespmem:s3], [sflag:$0x2] =	stream.linear.gather [hbm4b:s5+s3], $0x280, $0x38;
	[tilespmem:$0x77C8] =	vst v63  }
0x13: {  	_ =	swait.ge [sflag:s12], $0x280  }
0x14: {  	[sflag:s12] =	ssyncset.done $0x0  }
0x15: {  	s17 =	simm.s32 $0x20;
	[sflag:s12] =	ssyncadd.s32 $0xFFFFFD80  }
0x16: {  	v1 =	vld [tilespmem:s17+$0x10]  }
0x17: {  	v2 =	vld [tilespmem:s17+$0xFFFFFFF0]  }
0x18: {  	v3 =	vld [tilespmem:s17+$0x0]  }
0x19: {  	v4 =	vld [tilespmem:s17+$0xFFFFFFE0];
	_ =	sdelay $0x1  }
0x1a: {  	v1 =	vsub.f32 $0.0e+00, v1  }
0x1b: {  	s18 =	simm.s32 $0x60;
	v2 =	vsub.f32 $0.0e+00, v2  }
0x1c: {  	v6 =	vld [tilespmem:s18+$0xFFFFFFF0];
	v3 =	vsub.f32 $0.0e+00, v3;
	v1 =	vmul.f32 $1.442695020e+00, v1  }
0x1d: {  	v5 =	vld [tilespmem:s18+$0x10];
	v4 =	vsub.f32 $0.0e+00, v4;
	v2 =	vmul.f32 $1.442695020e+00, v2  }
0x1e: {  	v3 =	vmul.f32 $1.442695020e+00, v3;
	(erf) = vpow2.f32 v1  }
0x1f: {  	v4 =	vmul.f32 $1.442695020e+00, v4;
	v1 =	vld [tilespmem:s18+$0x0];
	(erf) = vpow2.f32 v2  }
0x20: {  	v2 =	vld [tilespmem:s18+$0xFFFFFFE0];
	(erf) = vpow2.f32 v3  }
0x21: {  	(erf) = vpow2.f32 v4;
	v4 =	vsub.f32 $0.0e+00, v6  }
0x22: {  	v3 =	vsub.f32 $0.0e+00, v5  }
0x23: {  	v4 =	vmul.f32 $1.442695020e+00, v4  }
0x24: {  	s19 =	simm.s32 $0xA0;
	v3 =	vmul.f32 $1.442695020e+00, v3;
	v1 =	vsub.f32 $0.0e+00, v1  }
0x25: {  	v5 =	vld [tilespmem:s19+$0x10];
	v2 =	vsub.f32 $0.0e+00, v2  }
0x26: {  	v6 =	vld [tilespmem:s19+$0xFFFFFFF0];
	(erf) = vpow2.f32 v3;
	v1 =	vmul.f32 $1.442695020e+00, v1  }
0x27: {  	v3 =	vld [tilespmem:s19+$0x0];
	(erf) = vpow2.f32 v4;
	v2 =	vmul.f32 $1.442695020e+00, v2;
	v4 =	vpop (erf)  }
0x28: {  	v7 =	vld [tilespmem:s19+$0xFFFFFFE0];
	(erf) = vpow2.f32 v1;
	v1 =	vadd.f32 $1.000000000e+00, v4;
	v4 =	vpop (erf)  }
0x29: {  	(erf) = vpow2.f32 v2;
	v2 =	vadd.f32 $1.000000000e+00, v4;
	v4 =	vpop (erf)  }
0x2a: {  	v5 =	vsub.f32 $0.0e+00, v5;
	v4 =	vadd.f32 $1.000000000e+00, v4;
	v8 =	vpop (erf)  }
0x2b: {  	(erf) = vrcp.f32 v1;
	v1 =	vsub.f32 $0.0e+00, v6;
	v6 =	vadd.f32 $1.000000000e+00, v8  }
0x2c: {  	(erf) = vrcp.f32 v2;
	v2 =	vsub.f32 $0.0e+00, v3;
	v3 =	vmul.f32 $1.442695020e+00, v5  }
0x2d: {  	v5 =	vsub.f32 $0.0e+00, v7;
	(erf) = vrcp.f32 v4;
	v1 =	vmul.f32 $1.442695020e+00, v1  }
0x2e: {  	s20 =	simm.s32 $0xE0;
	(erf) = vrcp.f32 v6;
	v2 =	vmul.f32 $1.442695020e+00, v2  }
0x2f: {  	v4 =	vld [tilespmem:s20+$0x10];
	(erf) = vpow2.f32 v3;
	v3 =	vmul.f32 $1.442695020e+00, v5;
	_ =	sdelay $0x1  }
0x30: {  	(erf) = vpow2.f32 v1;
	v1 =	vpop (erf)  }
0x31: {  	(erf) = vpow2.f32 v2;
	v1 =	vadd.f32 $1.000000000e+00, v1;
	v2 =	vpop (erf)  }
0x32: {  	v6 =	vld [tilespmem:s20+$0xFFFFFFF0];
	(erf) = vpow2.f32 v3;
	v2 =	vadd.f32 $1.000000000e+00, v2;
	v3 =	vpop (erf)  }
0x33: {  	v7 =	vld [tilespmem:s20+$0x0];
	v8 =	vsub.f32 $0.0e+00, v4;
	v4 =	vpop (erf);
	(erf) = vrcp.f32 v1  }
0x34: {  	(erf) = vrcp.f32 v2;
	v2 =	vld [tilespmem:s20+$0xFFFFFFE0]  }
0x35: {  	v9 =	vadd.f32 $1.000000000e+00, v3;
	_ =	sdelay $0x1  }
0x36: {  	v3 =	vsub.f32 $0.0e+00, v6;
	v4 =	vadd.f32 $1.000000000e+00, v4;
	v1 =	vpop (erf);
	(erf) = vrcp.f32 v9  }
0x37: {  	s21 =	simm.s32 $0xC;
	s22 =	simm.s32 $0x120;
	v5 =	vsub.f32 $0.0e+00, v7;
	v6 =	vmul.f32 $1.442695020e+00, v8;
	[tilespmem:s17+$0x10] =	vst v1;
	v1 =	vpop (erf)  }
.LBB2_2:
0x38: {  	v7 =	vld [tilespmem:s22+$0x10];
	s21 =	sadd.s32 $0x4, s21;
	v2 =	vsub.f32 $0.0e+00, v2;
	v9 =	vmul.f32 $1.442695020e+00, v3;
	(erf) = vrcp.f32 v4;
	[tilespmem:s17+$0xFFFFFFF0] =	vst v1;
	v1 =	vpop (erf)  }
0x39: {  	v4 =	vld [tilespmem:s22+$0xFFFFFFF0];
	p0 =	slt.u32 s21, $0x24;
	v5 =	vmul.f32 $1.442695020e+00, v5;
	(erf) = vpow2.f32 v6;
	[tilespmem:s17+$0x0] =	vst v1;
	v1 =	vpop (erf)  }
0x3a: {  	v6 =	vld [tilespmem:s22+$0x0];
	v8 =	vmul.f32 $1.442695020e+00, v2;
	(erf) = vpow2.f32 v9;
	v3 =	vpop (erf);
	[tilespmem:s17+$0xFFFFFFE0] =	vst v1;
	s17 =	smov.u32 s18;
	s18 =	smov.u32 s19;
	s19 =	smov.u32 s20  }
.Ltmp0:
0x3b: {  	s20 =	smov.u32 s22;
	v2 =	vld [tilespmem:s22+$0xFFFFFFE0];
	(erf) = vpow2.f32 v5;
	v10 =	vadd.f32 $1.000000000e+00, v3;
	v3 =	vpop (erf);
	(pc) =	sbr.rel @p0 .LBB2_2-.Ltmp0, $4  }
0x3c: {  	(erf) = vpow2.f32 v8;
	v5 =	vadd.f32 $1.000000000e+00, v3;
	v3 =	vpop (erf)  }
0x3d: {  	v7 =	vsub.f32 $0.0e+00, v7;
	v8 =	vadd.f32 $1.000000000e+00, v3;
	v9 =	vpop (erf);
	(erf) = vrcp.f32 v10  }
0x3e: {  	v3 =	vsub.f32 $0.0e+00, v4;
	v4 =	vadd.f32 $1.000000000e+00, v9;
	(erf) = vrcp.f32 v5;
	v1 =	vpop (erf)  }
0x3f: {  	s22 =	sadd.s32 $0x40, s22;
	v5 =	vsub.f32 $0.0e+00, v6;
	v6 =	vmul.f32 $1.442695020e+00, v7;
	(erf) = vrcp.f32 v8;
	[tilespmem:s17+$0x10] =	vst v1;
	v1 =	vpop (erf)  }
0x40: {  	v2 =	vsub.f32 $0.0e+00, v2;
	v3 =	vmul.f32 $1.442695020e+00, v3  }
0x41: {  	v5 =	vmul.f32 $1.442695020e+00, v5  }
0x42: {  	(erf) = vrcp.f32 v4;
	v4 =	vpop (erf);
	v2 =	vmul.f32 $1.442695020e+00, v2  }
0x43: {  	(erf) = vpow2.f32 v6;
	v6 =	vpop (erf)  }
0x44: {  	(erf) = vpow2.f32 v3;
	v3 =	vpop (erf)  }
0x45: {  	(erf) = vpow2.f32 v5;
	v5 =	vpop (erf)  }
0x46: {  	(erf) = vpow2.f32 v2;
	v2 =	vpop (erf)  }
0x47: {  	v3 =	vadd.f32 $1.000000000e+00, v3;
	v7 =	vpop (erf)  }
0x48: {  	v5 =	vadd.f32 $1.000000000e+00, v5;
	v8 =	vpop (erf)  }
0x49: {  	v9 =	vpop (erf)  }
0x4a: {  	v10 =	vpop (erf)  }
0x4b: {  	v2 =	vadd.f32 $1.000000000e+00, v2;
	(erf) = vrcp.f32 v3;
	v3 =	vpop (erf)  }
0x4c: {  	v7 =	vadd.f32 $1.000000000e+00, v7;
	(erf) = vrcp.f32 v5;
	v5 =	vpop (erf)  }
0x4d: {  	(erf) = vrcp.f32 v2;
	v2 =	vadd.f32 $1.000000000e+00, v5;
	v5 =	vpop (erf)  }
0x4e: {  	[tilespmem:s17+$0xFFFFFFF0] =	vst v1;
	(erf) = vrcp.f32 v7;
	v1 =	vadd.f32 $1.000000000e+00, v5;
	v5 =	vpop (erf)  }
0x4f: {  	[tilespmem:s17+$0x0] =	vst v4;
	v4 =	vadd.f32 $1.000000000e+00, v5;
	v5 =	vpop (erf);
	(erf) = vrcp.f32 v2  }
0x50: {  	[tilespmem:s17+$0xFFFFFFE0] =	vst v6;
	v2 =	vadd.f32 $1.000000000e+00, v5;
	(erf) = vrcp.f32 v1  }
0x51: {  	[tilespmem:s18+$0x10] =	vst v8;
	(erf) = vrcp.f32 v4  }
0x52: {  	[tilespmem:s18+$0xFFFFFFF0] =	vst v9;
	(erf) = vrcp.f32 v2  }
0x53: {  	[tilespmem:s18+$0x0] =	vst v10  }
0x54: {  	[tilespmem:s18+$0xFFFFFFE0] =	vst v3;
	v1 =	vpop (erf)  }
0x55: {  	[tilespmem:s19+$0x10] =	vst v1;
	v1 =	vpop (erf)  }
0x56: {  	[tilespmem:s19+$0xFFFFFFF0] =	vst v1;
	v1 =	vpop (erf)  }
0x57: {  	[tilespmem:s19+$0x0] =	vst v1;
	v1 =	vpop (erf)  }
0x58: {  	[tilespmem:s19+$0xFFFFFFE0] =	vst v1;
	v1 =	vpop (erf)  }
0x59: {  	[tilespmem:s20+$0x10] =	vst v1;
	v1 =	vpop (erf)  }
0x5a: {  	[tilespmem:s20+$0xFFFFFFF0] =	vst v1;
	v1 =	vpop (erf)  }
0x5b: {  	[tilespmem:s20+$0x0] =	vst v1;
	v1 =	vpop (erf)  }
0x5c: {  	[tilespmem:s20+$0xFFFFFFE0] =	vst v1  }
0x5d: {  	[spmem:s6] =	stream.linear.scatter [tilespmem:s3], [sflag:$0x2], $0x280, $0x38;
	[tilespmem:$0x77C8] =	vst v63  }
0x5e: {  	_ =	swait.ge [sflag:s12], $0x280  }
0x5f: {  	[sflag:s12] =	ssyncset.done $0x0  }
0x60: {  	[sflag:s12] =	ssyncadd.s32 $0xFFFFFD80  }
0x61: {  	[bflag:$0x0] =	sbarrier.arrive $0xFFFF  }
0x62: {  	[tilespmem:s3], [sflag:$0x2] =	stream.linear.gather [spmem:s2], $0x2710, $0x38;
	[tilespmem:$0x77C8] =	vst v63  }
0x63: {  	_ =	swait.ge [sflag:s12], $0x2710  }
0x64: {  	[sflag:s12] =	ssyncset.done $0x0  }
0x65: {  	[sflag:s12] =	ssyncadd.s32 $0xFFFFD8F0  }
0x66: {  	_ =	swait.ge [sflag:s13], $0x2720  }
0x67: {  	[sflag:s13] =	ssyncset.done $0x0  }
0x68: {  	s20 =	simm.s32 $0x2750;
	[sflag:s13] =	ssyncadd.s32 $0xFFFFD8E0  }
0x69: {  	s21 =	sadd.s32 $0xFFFFFFFC, s10;
	v2 =	vld [tilespmem:s20+$0x20]  }
0x6a: {  	s22 =	sadd.s32 $0x7, s21;
	v3 =	vld [tilespmem:s20+$0x30]  }
0x6b: {  	v11 =	vmov s22;
	v4 =	vld [tilespmem:s20+$0xFFFFFFC0]  }
0x6c: {  	s24 =	sadd.s32 $0x5, s21;
	v5 =	vld [tilespmem:s20+$0xFFFFFFD0]  }
0x6d: {  	s25 =	sadd.s32 $0x6, s21;
	v12 =	vmov s24;
	v6 =	vld [tilespmem:s20+$0xFFFFFFE0]  }
0x6e: {  	v1 =	vmov s25;
	v7 =	vld [tilespmem:s20+$0xFFFFFFF0]  }
0x6f: {  	v8 =	vld [tilespmem:s20+$0x0]  }
0x70: {  	v9 =	vld.idx.msk [tilespmem:v11+s3+$0x0], $0xffff  }
0x71: {  	v15 =	vld [tilespmem:s20+$0x10]  }
0x72: {  	v22 =	vld.idx.msk [tilespmem:v12+s3+$0x0], $0xffff  }
0x73: {  	s26 =	simm.s32 $0x27D0;
	v24 =	vld.idx.msk [tilespmem:v1+s3+$0x0], $0xffff  }
0x74: {  	v26 =	vld [tilespmem:s26+$0xFFFFFFC0]  }
0x75: {  	v10 =	vld.idx.msk [tilespmem:v2+s3+$0x0], $0xffff  }
0x76: {  	v13 =	vld.idx.msk [tilespmem:v3+s3+$0x0], $0xffff  }
0x77: {  	v27 =	vld [tilespmem:s26+$0xFFFFFFD0]  }
0x78: {  	v28 =	vld [tilespmem:s26+$0xFFFFFFE0]  }
0x79: {  	v29 =	vld [tilespmem:s26+$0xFFFFFFF0];
	s20 =	simm.s32 $0x2850  }
0x7a: {  	s23 =	sadd.s32 $0x4, s21;
	v42 =	vld [tilespmem:s20+$0x10];
	v10 =	vsub.f32 v10, v9  }
0x7b: {  	v14 =	vmov s23;
	v16 =	vld.idx.msk [tilespmem:v4+s3+$0x0], $0xffff;
	v9 =	vsub.f32 v13, v9  }
0x7c: {  	v17 =	vld.idx.msk [tilespmem:v5+s3+$0x0], $0xffff;
	v10 =	vand.u32 $0x7FFFFFFF, v10  }
0x7d: {  	v18 =	vld.idx.msk [tilespmem:v6+s3+$0x0], $0xffff;
	v9 =	vand.u32 $0x7FFFFFFF, v9;
	v10 =	vsub.f32 $1.000000000e+00, v10  }
0x7e: {  	s28 =	sadd.s32 $0x0, s10;
	v19 =	vld.idx.msk [tilespmem:v7+s3+$0x0], $0xffff;
	v9 =	vsub.f32 $1.000000000e+00, v9  }
0x7f: {  	s29 =	sadd.s32 $0x7, s28;
	(xrf1) =	vsort.dscd.msk.f32 $0xffff, v10, v2;
	v10 =	vld [tilespmem:s26+$0x20]  }
0x80: {  	v21 =	vmov s29;
	v13 =	vld.idx.msk [tilespmem:v14+s3+$0x0], $0xffff;
	(xrf1) =	vsort.ascd.msk.f32 $0xffff, v9, v3  }
0x81: {  	v9 =	vld [tilespmem:s26+$0x30]  }
0x82: {  	v20 =	vld.idx.msk [tilespmem:v8+s3+$0x0], $0xffff  }
0x83: {  	v23 =	vld.idx.msk [tilespmem:v15+s3+$0x0], $0xffff  }
0x84: {  	v30 =	vld [tilespmem:s26+$0x0]  }
0x85: {  	v25 =	vld.idx.msk [tilespmem:v21+s3+$0x0], $0xffff  }
0x86: {  	v31 =	vld [tilespmem:s26+$0x10];
	v18 =	vsub.f32 v18, v22;
	v16 =	vsub.f32 v16, v13  }
0x87: {  	v19 =	vsub.f32 v19, v22;
	v13 =	vsub.f32 v17, v13;
	v17 =	vld.idx.msk [tilespmem:v10+s3+$0x0], $0xffff  }
0x88: {  	v60 =	vld.idx.msk [tilespmem:v42+s3+$0x0], $0xffff;
	v20 =	vsub.f32 v20, v24;
	v23 =	vsub.f32 v23, v24;
	v16 =	vand.u32 $0x7FFFFFFF, v16  }
0x89: {  	s30 =	sadd.s32 $0x4, s28;
	v18 =	vand.u32 $0x7FFFFFFF, v18;
	v13 =	vand.u32 $0x7FFFFFFF, v13;
	v16 =	vsub.f32 $1.000000000e+00, v16;
	v22 =	vld.idx.msk [tilespmem:v9+s3+$0x0], $0xffff  }
0x8a: {  	v24 =	vld.idx.msk [tilespmem:v26+s3+$0x0], $0xffff;
	v18 =	vsub.f32 $1.000000000e+00, v18;
	v3 =	vmov s30;
	v13 =	vsub.f32 $1.000000000e+00, v13  }
0x8b: {  	s31 =	sadd.s32 $0x5, s28;
	v19 =	vand.u32 $0x7FFFFFFF, v19;
	v20 =	vand.u32 $0x7FFFFFFF, v20;
	v23 =	vand.u32 $0x7FFFFFFF, v23;
	(xrf1) =	vsort.dscd.msk.f32 $0xffff, v16, v4;
	v16 =	vld.idx.msk [tilespmem:v27+s3+$0x0], $0xffff  }
0x8c: {  	v19 =	vsub.f32 $1.000000000e+00, v19;
	v2 =	vmov s31;
	(xrf1) =	vsort.ascd.msk.f32 $0xffff, v13, v5;
	v13 =	vld.idx.msk [tilespmem:v28+s3+$0x0], $0xffff;
	v17 =	vsub.f32 v17, v25  }
0x8d: {  	s19 =	sadd.s32 $0x6, s28;
	v20 =	vsub.f32 $1.000000000e+00, v20;
	v23 =	vsub.f32 $1.000000000e+00, v23;
	(xrf1) =	vsort.dscd.msk.f32 $0xffff, v18, v6;
	v6 =	vld.idx.msk [tilespmem:v29+s3+$0x0], $0xffff;
	v5, v32, _ =	vpop (xrf1)  }
0x8e: {  	v4 =	vmov s19;
	(xrf1) =	vsort.ascd.msk.f32 $0xffff, v19, v7;
	v7 =	vld.idx.msk [tilespmem:v30+s3+$0x0], $0xffff;
	v19 =	vsub.f32 v22, v25;
	v18, v33, _ =	vpop (xrf1);
	v17 =	vand.u32 $0x7FFFFFFF, v17  }
0x8f: {  	(xrf1) =	vsort.dscd.msk.f32 $0xffff, v20, v8;
	v8 =	vld.idx.msk [tilespmem:v3+s3+$0x0], $0xffff;
	vm0 =	vge.f32 v5, v18;
	v17 =	vsub.f32 $1.000000000e+00, v17  }
0x90: {  	(xrf1) =	vsort.ascd.msk.f32 $0xffff, v23, v15;
	v19 =	vand.u32 $0x7FFFFFFF, v19;
	v5 =	vsel vm0, v5, v18;
	v15 =	vsel vm0, v32, v33  }
0x91: {  	v18 =	vld.idx.msk [tilespmem:v2+s3+$0x0], $0xffff;
	(xrf1) =	vsort.dscd.msk.f32 $0xffff, v5, v15;
	v5 =	vsub.f32 $1.000000000e+00, v19  }
0x92: {  	v15 =	vld.idx.msk [tilespmem:v31+s3+$0x0], $0xffff;
	(xrf1) =	vsort.dscd.msk.f32 $0xffff, v17, v10  }
0x93: {  	v19 =	vld.idx.msk [tilespmem:v4+s3+$0x0], $0xffff;
	(xrf1) =	vsort.ascd.msk.f32 $0xffff, v5, v9  }
0x94: {  	s21 =	sadd.s32 $0x4, s10;
	v10 =	vld [tilespmem:s20+$0x20]  }
0x95: {  	s22 =	sadd.s32 $0x7, s21;
	v17 =	vsub.f32 v24, v8;
	v9 =	vld [tilespmem:s20+$0x30]  }
0x96: {  	v23 =	vld [tilespmem:s20+$0xFFFFFFD0];
	v8 =	vsub.f32 v16, v8;
	v5 =	vmov s22  }
0x97: {  	v22 =	vld [tilespmem:s20+$0xFFFFFFC0];
	v17 =	vand.u32 $0x7FFFFFFF, v17;
	v54 =	vsub.f32 v13, v18  }
0x98: {  	v24 =	vld [tilespmem:s20+$0xFFFFFFE0];
	v8 =	vand.u32 $0x7FFFFFFF, v8;
	v6 =	vsub.f32 v6, v18;
	v17 =	vsub.f32 $1.000000000e+00, v17  }
0x99: {  	v25 =	vld [tilespmem:s20+$0xFFFFFFF0];
	v16, v20, _ =	vpop (xrf1);
	v8 =	vsub.f32 $1.000000000e+00, v8;
	v7 =	vsub.f32 v7, v19  }
0x9a: {  	v13 =	vld [tilespmem:s20+$0x0];
	v18, v55, _ =	vpop (xrf1);
	v15 =	vsub.f32 v15, v19;
	v32 =	vand.u32 $0x7FFFFFFF, v54;
	v19 =	vand.u32 $0x7FFFFFFF, v6  }
0x9b: {  	s23 =	sadd.s32 $0x4, s21;
	v35, v36, _ =	vpop (xrf1);
	(xrf1) =	vsort.dscd.msk.f32 $0xffff, v17, v26;
	v34 =	vld.idx.msk [tilespmem:v5+s3+$0x0], $0xffff;
	v32 =	vsub.f32 $1.000000000e+00, v32  }
0x9c: {  	v38, v39, _ =	vpop (xrf1);
	v6 =	vmov s23;
	(xrf1) =	vsort.ascd.msk.f32 $0xffff, v8, v27;
	v8 =	vand.u32 $0x7FFFFFFF, v15;
	v37 =	vld.idx.msk [tilespmem:v10+s3+$0x0], $0xffff  }
0x9d: {  	v7 =	vand.u32 $0x7FFFFFFF, v7;
	v26, v41, _ =	vpop (xrf1);
	v17 =	vsub.f32 $1.000000000e+00, v19;
	(xrf1) =	vsort.dscd.msk.f32 $0xffff, v32, v28;
	v28 =	vsub.f32 $1.000000000e+00, v8;
	v40 =	vld.idx.msk [tilespmem:v9+s3+$0x0], $0xffff  }
0x9e: {  	v44 =	vld.idx.msk [tilespmem:v23+s3+$0x0], $0xffff;
	v27 =	vsub.f32 $1.000000000e+00, v7;
	v15, v19, _ =	vpop (xrf1)  }
0x9f: {  	s24 =	sadd.s32 $0x5, s21;
	v43 =	vld.idx.msk [tilespmem:v22+s3+$0x0], $0xffff;
	vm10 =	vge.f32 v16, v18;
	(xrf1) =	vsort.ascd.msk.f32 $0xffff, v17, v29;
	_, v56, _ =	vpop (xrf1)  }
0xa0: {  	s25 =	sadd.s32 $0x6, s21;
	v16 =	vsel vm10, v16, v18;
	v7 =	vmov s24;
	v17 =	vsel vm10, v20, v55;
	v29 =	vld.idx.msk [tilespmem:v24+s3+$0x0], $0xffff;
	(xrf1) =	vsort.dscd.msk.f32 $0xffff, v27, v30;
	v18, v20, _ =	vpop (xrf1)  }
0xa1: {  	vm1 =	vge.f32 v35, v38;
	v8 =	vmov s25;
	v30 =	vld.idx.msk [tilespmem:v25+s3+$0x0], $0xffff;
	v57 =	vsub.f32 v37, v34;
	(xrf1) =	vsort.ascd.msk.f32 $0xffff, v28, v31;
	v28, v31, _ =	vpop (xrf1)  }
0xa2: {  	v27 =	vsel vm1, v35, v38;
	v59 =	vld.idx.msk [tilespmem:v6+s3+$0x0], $0xffff;
	v34 =	vsub.f32 v40, v34;
	vm11 =	vge.f32 v18, v28  }
0xa3: {  	(xrf1) =	vsort.dscd.msk.f32 $0xffff, v16, v17;
	v16 =	vand.u32 $0x7FFFFFFF, v57;
	v17 =	vsel vm11, v18, v28;
	v18 =	vsel vm11, v20, v31  }
0xa4: {  	v58 =	vld.idx.msk [tilespmem:v13+s3+$0x0], $0xffff;
	v16 =	vsub.f32 $1.000000000e+00, v16;
	v20 =	vsel vm1, v36, v39;
	v31 =	vand.u32 $0x7FFFFFFF, v34;
	(xrf1) =	vsort.dscd.msk.f32 $0xffff, v17, v18  }
0xa5: {  	s26 =	simm.s32 $0x28D0;
	v28 =	vld.idx.msk [tilespmem:v7+s3+$0x0], $0xffff;
	v17 =	vsub.f32 $1.000000000e+00, v31;
	(xrf1) =	vsort.dscd.msk.f32 $0xffff, v27, v20  }
0xa6: {  	s28 =	sadd.s32 $0x8, s10;
	v34 =	vld [tilespmem:s26+$0x20];
	(xrf1) =	vsort.dscd.msk.f32 $0xffff, v16, v10  }
0xa7: {  	s29 =	sadd.s32 $0x7, s28;
	v18 =	vld [tilespmem:s26+$0x30];
	(xrf1) =	vsort.ascd.msk.f32 $0xffff, v17, v9  }
0xa8: {  	vm12 =	vge.f32 v26, v15;
	v27 =	vld.idx.msk [tilespmem:v8+s3+$0x0], $0xffff;
	v10 =	vmov s29  }
0xa9: {  	v20 =	vld [tilespmem:s26+$0xFFFFFFE0];
	v9 =	vsel vm12, v26, v15;
	v15 =	vsel vm12, v41, v19;
	v19 =	vsub.f32 v43, v59  }
0xaa: {  	v61 =	vsub.f32 v44, v59;
	v16 =	vld [tilespmem:s26+$0xFFFFFFC0]  }
0xab: {  	v17 =	vld [tilespmem:s26+$0xFFFFFFD0];
	v26, v31, _ =	vpop (xrf1);
	v29 =	vsub.f32 v29, v28;
	v28 =	vsub.f32 v30, v28;
	v30 =	vand.u32 $0x7FFFFFFF, v19  }
0xac: {  	v50 =	vand.u32 $0x7FFFFFFF, v61;
	(xrf1) =	vsort.dscd.msk.f32 $0xffff, v9, v15;
	v63, v62, _ =	vpop (xrf1);
	v15 =	vld [tilespmem:s26+$0xFFFFFFF0];
	v30 =	vsub.f32 $1.000000000e+00, v30  }
0xad: {  	s17 =	simm.s32 $0x4E50;
	s30 =	sadd.s32 $0x4, s28;
	v32 =	vsub.f32 $1.000000000e+00, v50;
	v49, v48, _ =	vpop (xrf1);
	v19 =	vld [tilespmem:s26+$0x0]  }
0xae: {  	s19 =	simm.s32 $0x61E0;
	[tilespmem:s17+$0x10] =	vst v56;
	v9 =	vmov s30;
	vm2 =	vge.f32 v26, v63;
	v35 =	vsub.f32 v58, v27;
	v51, v52, _ =	vpop (xrf1);
	v53 =	vld.idx.msk [tilespmem:v10+s3+$0x0], $0xffff  }
0xaf: {  	[tilespmem:s19+$0x10] =	vst v11;
	v27 =	vsub.f32 v60, v27;
	v11 =	vand.u32 $0x7FFFFFFF, v29;
	v28 =	vand.u32 $0x7FFFFFFF, v28;
	v54, v55, _ =	vpop (xrf1);
	v29 =	vld.idx.msk [tilespmem:v34+s3+$0x0], $0xffff  }
0xb0: {  	v57 =	vsel vm2, v26, v63;
	v11 =	vsub.f32 $1.000000000e+00, v11;
	v28 =	vsub.f32 $1.000000000e+00, v28;
	v47 =	vld.idx.msk [tilespmem:v18+s3+$0x0], $0xffff;
	(xrf1) =	vsort.dscd.msk.f32 $0xffff, v30, v22;
	v45, v46, _ =	vpop (xrf1)  }
0xb1: {  	v31 =	vsel vm2, v31, v62;
	vm13 =	vge.f32 v49, v51;
	v35 =	vand.u32 $0x7FFFFFFF, v35;
	v22 =	vld [tilespmem:s26+$0x10];
	(xrf1) =	vsort.ascd.msk.f32 $0xffff, v32, v23;
	_, v30, _ =	vpop (xrf1)  }
0xb2: {  	s31 =	sadd.s32 $0x5, s28;
	v27 =	vand.u32 $0x7FFFFFFF, v27;
	v33 =	vsel vm13, v49, v51;
	v56 =	vsub.f32 $1.000000000e+00, v35;
	v23 =	vld.idx.msk [tilespmem:v16+s3+$0x0], $0xffff;
	(xrf1) =	vsort.dscd.msk.f32 $0xffff, v11, v24;
	_, v26, _ =	vpop (xrf1)  }
0xb3: {  	v62 =	vsel vm13, v48, v52;
	v27 =	vsub.f32 $1.000000000e+00, v27;
	v11 =	vmov s31;
	v24 =	vld.idx.msk [tilespmem:v17+s3+$0x0], $0xffff;
	(xrf1) =	vsort.ascd.msk.f32 $0xffff, v28, v25;
	_, v58, _ =	vpop (xrf1)  }
0xb4: {  	s18 =	simm.s32 $0x4E90;
	s21 =	sadd.s32 $0x6, s28;
	vm14 =	vge.f32 v54, v45;
	v25 =	vld.idx.msk [tilespmem:v20+s3+$0x0], $0xffff;
	v29 =	vsub.f32 v29, v53;
	(xrf1) =	vsort.dscd.msk.f32 $0xffff, v56, v13;
	v28, v59, _ =	vpop (xrf1)  }
0xb5: {  	s20 =	simm.s32 $0x6220;
	v41 =	vsub.f32 v47, v53;
	[tilespmem:s18+$0x10] =	vst v26;
	v13 =	vmov s21;
	v26 =	vld.idx.msk [tilespmem:v15+s3+$0x0], $0xffff;
	(xrf1) =	vsort.ascd.msk.f32 $0xffff, v27, v42;
	v60, v61, _ =	vpop (xrf1)  }
0xb6: {  	[tilespmem:s20+$0x10] =	vst v21;
	v21 =	vld.idx.msk [tilespmem:v19+s3+$0x0], $0xffff;
	(xrf1) =	vsort.dscd.msk.f32 $0xffff, v57, v31;
	vm15 =	vge.f32 v28, v60  }
0xb7: {  	[tilespmem:s17+$0xFFFFFFE0] =	vst v30;
	v27 =	vld.idx.msk [tilespmem:v9+s3+$0x0], $0xffff;
	v31 =	vand.u32 $0x7FFFFFFF, v29;
	v28 =	vsel vm15, v28, v60;
	v32 =	vsel vm15, v59, v61  }
0xb8: {  	[tilespmem:s19+$0xFFFFFFE0] =	vst v14;
	v29 =	vld.idx.msk [tilespmem:v11+s3+$0x0], $0xffff;
	v63 =	vsub.f32 $1.000000000e+00, v31;
	v31 =	vand.u32 $0x7FFFFFFF, v41;
	(xrf1) =	vsort.dscd.msk.f32 $0xffff, v28, v32  }
0xb9: {  	v30 =	vsel vm14, v54, v45;
	[tilespmem:s17+$0xFFFFFFF0] =	vst v58;
	v28 =	vld.idx.msk [tilespmem:v22+s3+$0x0], $0xffff;
	(xrf1) =	vsort.dscd.msk.f32 $0xffff, v33, v62;
	v33 =	vsub.f32 $1.000000000e+00, v31  }
0xba: {  	s22 =	simm.s32 $0x2950;
	s21 =	simm.s32 $0xC;
	[tilespmem:s19+$0xFFFFFFF0] =	vst v12;
	_, v14, _ =	vpop (xrf1);
	v32 =	vsel vm14, v55, v46;
	v31 =	vld.idx.msk [tilespmem:v13+s3+$0x0], $0xffff;
	(xrf1) =	vsort.dscd.msk.f32 $0xffff, v63, v34  }
.LBB2_4:
0xbb: {  	s23 =	sadd.s32 s21, s10;
	v12 =	vld [tilespmem:s22+$0x20];
	(xrf1) =	vsort.ascd.msk.f32 $0xffff, v33, v18;
	[tilespmem:s17+$0x0] =	vst v14;
	v14 =	vmovc v10;
	v33 =	vmov v17;
	v34 =	vmov v20;
	s17 =	smov.u32 s18  }
0xbc: {  	s24 =	sadd.s32 $0x4, s23;
	s25 =	sadd.s32 $0x5, s23;
	s26 =	sadd.s32 $0x7, s23;
	v18 =	vld [tilespmem:s22+$0x30];
	(xrf1) =	vsort.dscd.msk.f32 $0xffff, v30, v32;
	[tilespmem:s19+$0x0] =	vst v1;
	v1 =	vmovc v4;
	v4 =	vmov v8;
	v8 =	vmov v13  }
0xbd: {  	s21 =	sadd.s32 $0x4, s21;
	v37 =	vmovc v19;
	s23 =	sadd.s32 $0x6, s23;
	v32 =	vmovc v15;
	s19 =	smov.u32 s20;
	v30 =	vld [tilespmem:s22+$0xFFFFFFC0];
	v35 =	vmov s24;
	v36 =	vmov s25;
	v10 =	vmov s26  }
0xbe: {  	p0 =	slt.u32 s21, $0x134;
	v19 =	vsub.f32 v23, v27;
	v23 =	vsub.f32 v24, v27;
	v13 =	vmov s23;
	v17 =	vld [tilespmem:s22+$0xFFFFFFD0];
	v24, v27, _ =	vpop (xrf1)  }
0xbf: {  	v39 =	vmov v22;
	v25 =	vsub.f32 v25, v29;
	v26 =	vsub.f32 v26, v29;
	v20 =	vld [tilespmem:s22+$0xFFFFFFE0];
	v29, v38, _ =	vpop (xrf1)  }
0xc0: {  	v22 =	vand.u32 $0x7FFFFFFF, v19;
	v21 =	vsub.f32 v21, v31;
	v28 =	vsub.f32 v28, v31;
	v15 =	vld [tilespmem:s22+$0xFFFFFFF0];
	v31, v40, _ =	vpop (xrf1)  }
0xc1: {  	v23 =	vand.u32 $0x7FFFFFFF, v23;
	v25 =	vand.u32 $0x7FFFFFFF, v25;
	v26 =	vand.u32 $0x7FFFFFFF, v26;
	v19 =	vld [tilespmem:s22+$0x0];
	v41, v42, _ =	vpop (xrf1)  }
0xc2: {  	v22 =	vsub.f32 $1.000000000e+00, v22;
	v21 =	vand.u32 $0x7FFFFFFF, v21;
	v28 =	vand.u32 $0x7FFFFFFF, v28;
	v43 =	vld.idx.msk [tilespmem:v10+s3+$0x0], $0xffff;
	v44, v45, _ =	vpop (xrf1)  }
0xc3: {  	v23 =	vsub.f32 $1.000000000e+00, v23;
	v25 =	vsub.f32 $1.000000000e+00, v25;
	vm0 =	vge.f32 v24, v29;
	v46 =	vld.idx.msk [tilespmem:v12+s3+$0x0], $0xffff;
	v47, v48, _ =	vpop (xrf1)  }
0xc4: {  	v26 =	vsub.f32 $1.000000000e+00, v26;
	v21 =	vsub.f32 $1.000000000e+00, v21;
	vm1 =	vge.f32 v31, v41;
	v49 =	vld.idx.msk [tilespmem:v18+s3+$0x0], $0xffff;
	(xrf1) =	vsort.dscd.msk.f32 $0xffff, v22, v16;
	_, v50, _ =	vpop (xrf1)  }
0xc5: {  	v29 =	vsel vm0, v24, v29;
	v28 =	vsub.f32 $1.000000000e+00, v28;
	vm2 =	vge.f32 v44, v47;
	v22 =	vld [tilespmem:s22+$0x10];
	(xrf1) =	vsort.ascd.msk.f32 $0xffff, v23, v33  }
0xc6: {  	s18 =	sadd.s32 $0x40, s18;
	v27 =	vsel vm0, v27, v38;
	v31 =	vsel vm1, v31, v41;
	v23 =	vld.idx.msk [tilespmem:v30+s3+$0x0], $0xffff;
	(xrf1) =	vsort.dscd.msk.f32 $0xffff, v25, v34;
	_, v16, _ =	vpop (xrf1)  }
0xc7: {  	s20 =	sadd.s32 $0x40, s20;
	v34 =	vsel vm1, v40, v42;
	v24 =	vld.idx.msk [tilespmem:v17+s3+$0x0], $0xffff;
	(xrf1) =	vsort.ascd.msk.f32 $0xffff, v26, v32;
	[tilespmem:s18+$0x10] =	vst v16;
	_, v38, _ =	vpop (xrf1);
	v16 =	vmov v30  }
0xc8: {  	v30 =	vsel vm2, v44, v47;
	v25 =	vld.idx.msk [tilespmem:v20+s3+$0x0], $0xffff;
	(xrf1) =	vsort.dscd.msk.f32 $0xffff, v21, v37;
	v33, v37, _ =	vpop (xrf1);
	[tilespmem:s20+$0x10] =	vst v5;
	v5 =	vmov v14  }
0xc9: {  	v32 =	vsel vm2, v45, v48;
	v40 =	vsub.f32 v46, v43;
	v26 =	vld.idx.msk [tilespmem:v15+s3+$0x0], $0xffff;
	(xrf1) =	vsort.ascd.msk.f32 $0xffff, v28, v39;
	v28, v39, _ =	vpop (xrf1)  }
.Ltmp1:
0xca: {  	v41 =	vsub.f32 v49, v43;
	v21 =	vld.idx.msk [tilespmem:v19+s3+$0x0], $0xffff;
	vm0 =	vge.f32 v33, v28;
	(xrf1) =	vsort.dscd.msk.f32 $0xffff, v29, v27;
	_, v14, _ =	vpop (xrf1);
	(pc) =	sbr.rel @p0 .LBB2_4-.Ltmp1, $4  }
0xcb: {  	v40 =	vand.u32 $0x7FFFFFFF, v40;
	v27 =	vld.idx.msk [tilespmem:v35+s3+$0x0], $0xffff;
	v28 =	vsel vm0, v33, v28;
	v33 =	vsel vm0, v37, v39;
	[tilespmem:s17+$0xFFFFFFE0] =	vst v50  }
0xcc: {  	v37 =	vsub.f32 $1.000000000e+00, v40;
	v39 =	vand.u32 $0x7FFFFFFF, v41;
	v29 =	vld.idx.msk [tilespmem:v36+s3+$0x0], $0xffff;
	(xrf1) =	vsort.dscd.msk.f32 $0xffff, v28, v33;
	[tilespmem:s19+$0xFFFFFFE0] =	vst v3;
	v3 =	vmovc v6  }
0xcd: {  	v33 =	vsub.f32 $1.000000000e+00, v39;
	v6 =	vmovc v9;
	v9 =	vmov v35;
	v28 =	vld.idx.msk [tilespmem:v22+s3+$0x0], $0xffff;
	(xrf1) =	vsort.dscd.msk.f32 $0xffff, v31, v34;
	[tilespmem:s17+$0xFFFFFFF0] =	vst v38  }
0xce: {  	s22 =	sadd.s32 $0x80, s22;
	v31 =	vld.idx.msk [tilespmem:v13+s3+$0x0], $0xffff;
	(xrf1) =	vsort.dscd.msk.f32 $0xffff, v37, v12;
	[tilespmem:s19+$0xFFFFFFF0] =	vst v2;
	v2 =	vmovc v7;
	v7 =	vmov v11;
	v11 =	vmov v36  }
0xcf: {  	(xrf1) =	vsort.ascd.msk.f32 $0xffff, v33, v18  }
0xd0: {  	v12 =	vsub.f32 v23, v27  }
0xd1: {  	v57 =	vsub.f32 v24, v27  }
0xd2: {  	v12 =	vand.u32 $0x7FFFFFFF, v12  }
0xd3: {  	v25 =	vsub.f32 v25, v29;
	v58, v59, _ =	vpop (xrf1);
	v18 =	vand.u32 $0x7FFFFFFF, v57;
	v12 =	vsub.f32 $1.000000000e+00, v12  }
0xd4: {  	v26 =	vsub.f32 v26, v29;
	(xrf1) =	vsort.dscd.msk.f32 $0xffff, v30, v32;
	v60, v61, _ =	vpop (xrf1);
	v18 =	vsub.f32 $1.000000000e+00, v18  }
0xd5: {  	v21 =	vsub.f32 v21, v31;
	v25 =	vand.u32 $0x7FFFFFFF, v25;
	v30, v32, _ =	vpop (xrf1);
	(xrf1) =	vsort.dscd.msk.f32 $0xffff, v12, v16  }
0xd6: {  	v28 =	vsub.f32 v28, v31;
	v26 =	vand.u32 $0x7FFFFFFF, v26;
	v25 =	vsub.f32 $1.000000000e+00, v25;
	v63, v62, _ =	vpop (xrf1);
	(xrf1) =	vsort.ascd.msk.f32 $0xffff, v18, v17  }
0xd7: {  	v26 =	vsub.f32 $1.000000000e+00, v26;
	v36 =	vand.u32 $0x7FFFFFFF, v21;
	v37, v38, _ =	vpop (xrf1)  }
0xd8: {  	v39 =	vand.u32 $0x7FFFFFFF, v28;
	v12 =	vsub.f32 $1.000000000e+00, v36;
	v40, v41, _ =	vpop (xrf1);
	(xrf1) =	vsort.dscd.msk.f32 $0xffff, v25, v20  }
0xd9: {  	v17 =	vsub.f32 $1.000000000e+00, v39;
	_, v42, _ =	vpop (xrf1);
	(xrf1) =	vsort.ascd.msk.f32 $0xffff, v26, v15  }
0xda: {  	(xrf1) =	vsort.dscd.msk.f32 $0xffff, v12, v19;
	_, v43, _ =	vpop (xrf1)  }
0xdb: {  	(xrf1) =	vsort.ascd.msk.f32 $0xffff, v17, v22;
	_, v44, _ =	vpop (xrf1)  }
0xdc: {  	v46, v45, _ =	vpop (xrf1)  }
0xdd: {  	v48, v47, _ =	vpop (xrf1)  }
0xde: {  	vm9 =	vge.f32 v46, v48  }
0xdf: {  	vm0 =	vge.f32 v58, v60;
	v19 =	vsel vm9, v45, v47  }
0xe0: {  	v23 =	vsel vm0, v58, v60;
	v24 =	vsel vm0, v59, v61;
	v17 =	vsel vm9, v46, v48  }
0xe1: {  	(xrf1) =	vsort.dscd.msk.f32 $0xffff, v23, v24  }
0xe2: {  	(xrf1) =	vsort.dscd.msk.f32 $0xffff, v17, v19;
	_, v51, _ =	vpop (xrf1)  }
0xe3: {  	vm10 =	vge.f32 v30, v63;
	v17, v19, _ =	vpop (xrf1)  }
0xe4: {  	v49 =	vsel vm10, v30, v63;
	v50 =	vsel vm10, v32, v62;
	v54, v55, _ =	vpop (xrf1)  }
0xe5: {  	[tilespmem:s17+$0x0] =	vst v14;
	vm11 =	vge.f32 v37, v40;
	(xrf1) =	vsort.dscd.msk.f32 $0xffff, v49, v50;
	vm12 =	vge.f32 v17, v54  }
0xe6: {  	[tilespmem:s19+$0x0] =	vst v1;
	v52 =	vsel vm11, v37, v40;
	v53 =	vsel vm11, v38, v41;
	v1, v56, _ =	vpop (xrf1);
	v17 =	vsel vm12, v17, v54  }
0xe7: {  	(xrf1) =	vsort.dscd.msk.f32 $0xffff, v52, v53;
	v58, v57, _ =	vpop (xrf1)  }
0xe8: {  	[tilespmem:s18+$0xFFFFFFE0] =	vst v42;
	v59 =	vsel vm12, v19, v55;
	v61, v60, _ =	vpop (xrf1)  }
0xe9: {  	s28 =	sadd.s32 $0x40, s18;
	[tilespmem:s20+$0xFFFFFFE0] =	vst v3;
	vm13 =	vge.f32 v1, v58;
	(xrf1) =	vsort.dscd.msk.f32 $0xffff, v17, v59;
	v17, v18, _ =	vpop (xrf1)  }
0xea: {  	s29 =	sadd.s32 $0x40, s20;
	[tilespmem:s28+$0x10] =	vst v43;
	v1 =	vsel vm13, v1, v58;
	v14 =	vsel vm13, v56, v57;
	vm14 =	vge.f32 v61, v17  }
0xeb: {  	[tilespmem:s29+$0x10] =	vst v5;
	(xrf1) =	vsort.dscd.msk.f32 $0xffff, v1, v14;
	v1 =	vsel vm14, v61, v17  }
0xec: {  	[tilespmem:s18+$0xFFFFFFF0] =	vst v44;
	v3 =	vsel vm14, v60, v18  }
0xed: {  	[tilespmem:s20+$0xFFFFFFF0] =	vst v2;
	(xrf1) =	vsort.dscd.msk.f32 $0xffff, v1, v3  }
0xee: {  	[tilespmem:s18+$0x0] =	vst v51  }
0xef: {  	[tilespmem:s20+$0x0] =	vst v4;
	_, v1, _ =	vpop (xrf1)  }
0xf0: {  	s30 =	sadd.s32 $0x40, s28;
	_, v2, _ =	vpop (xrf1);
	[tilespmem:s28+$0xFFFFFFE0] =	vst v1  }
0xf1: {  	[tilespmem:s30+$0x10] =	vst v2  }
0xf2: {  	s31 =	sadd.s32 $0x40, s29;
	[tilespmem:s29+$0xFFFFFFE0] =	vst v6  }
0xf3: {  	_, v1, _ =	vpop (xrf1);
	[tilespmem:s31+$0x10] =	vst v10  }
0xf4: {  	[tilespmem:s28+$0xFFFFFFF0] =	vst v1  }
0xf5: {  	_, v1, _ =	vpop (xrf1);
	[tilespmem:s29+$0xFFFFFFF0] =	vst v7  }
0xf6: {  	[tilespmem:s28+$0x0] =	vst v1  }
0xf7: {  	[tilespmem:s29+$0x0] =	vst v8;
	_, v1, _ =	vpop (xrf1)  }
0xf8: {  	[tilespmem:s30+$0xFFFFFFE0] =	vst v1  }
0xf9: {  	_, v1, _ =	vpop (xrf1);
	[tilespmem:s31+$0xFFFFFFE0] =	vst v9  }
0xfa: {  	[tilespmem:s30+$0xFFFFFFF0] =	vst v1  }
0xfb: {  	[tilespmem:s31+$0xFFFFFFF0] =	vst v11;
	_, v1, _ =	vpop (xrf1)  }
0xfc: {  	[tilespmem:s30+$0x0] =	vst v1  }
0xfd: {  	[tilespmem:s31+$0x0] =	vst v13  }
0xfe: {  	v1 =	vld [tilespmem:$0x4E10]  }
0xff: {  	v2 =	vld [tilespmem:$0x4E20];
	_ =	sdelay $0x5  }
0x100: {  	v3 =	vld.idx.msk [tilespmem:v0+s3+$0x0], $0xffff  }
0x101: {  	v4 =	vld.idx.msk [tilespmem:v1+s3+$0x0], $0xffff  }
0x102: {  	v62 =	vld.idx.msk [tilespmem:v2+s3+$0x0], $0xffff;
	_ =	sdelay $0x3  }
0x103: {  	v4 =	vsub.f32 v4, v3  }
0x104: {  	v3 =	vsub.f32 v62, v3  }
0x105: {  	v4 =	vand.u32 $0x7FFFFFFF, v4  }
0x106: {  	v3 =	vand.u32 $0x7FFFFFFF, v3;
	v4 =	vsub.f32 $1.000000000e+00, v4  }
0x107: {  	v3 =	vsub.f32 $1.000000000e+00, v3  }
0x108: {  	(xrf1) =	vsort.dscd.msk.f32 $0xffff, v4, v1  }
0x109: {  	(xrf1) =	vsort.ascd.msk.f32 $0xffff, v3, v2;
	_ =	sdelay $0xc  }
0x10a: {  	v1, v2, _ =	vpop (xrf1)  }
0x10b: {  	v3, v63, _ =	vpop (xrf1)  }
0x10c: {  	vm15 =	vge.f32 v1, v3  }
0x10d: {  	v1 =	vsel vm15, v1, v3;
	v2 =	vsel vm15, v2, v63  }
0x10e: {  	(xrf1) =	vsort.dscd.msk.f32 $0xffff, v1, v2;
	_ =	sdelay $0xd  }
0x10f: {  	[tilespmem:$0x7540] =	vst v0;
	_, v1, _ =	vpop (xrf1)  }
0x110: {  	[tilespmem:$0x61B0] =	vst v1  }
0x111: {  	[hbm4b:s7+s3] =	stream.linear.scatter [tilespmem:s14], [sflag:$0x2], $0x1390, $0x38;
	[tilespmem:$0x77C8] =	vst v63  }
0x112: {  	s16 =	sadd.s32 $0x1, s16;
	_ =	swait.ge [sflag:s12], $0x1390  }
0x113: {  	p0 =	sne.s32 s16, s9;
	[sflag:s12] =	ssyncset.done $0x0  }
.Ltmp2:
0x114: {  	[sflag:s12] =	ssyncadd.s32 $0xFFFFEC70;
	(pc) =	sbr.rel @p0 .LBB2_1-.Ltmp2, $4  }
0x115: {  	[hbm4b:s8+s3] =	stream.linear.scatter [tilespmem:s15], [sflag:$0x2], $0x1390, $0x38;
	[tilespmem:$0x77C8] =	vst v63  }
0x116: {  	_ =	swait.ge [sflag:s12], $0x1390  }
0x117: {  	[sflag:s12] =	ssyncset.done $0x0  }
0x118: {  	[sflag:s12] =	ssyncadd.s32 $0xFFFFEC70  }
0x119: {  	_ =	sfence.sel $0x180000  }
0x11a: {  	[bflag:$0x0] =	sbarrier.arrive $0xFFFF  }
0x11b: {  	p0 =	sne.s32 s0, $0x0;
	_ =	strace $0x90000047  }
0x11c: {  	s0 =	sadd.s32 @!p0 $0x100000, s1;
	[bflag:$0x2] =	sbarrier.arrive $0xFFFF  }
0x11d: {  	[sflag:s0] =	ssyncadd.tile.s32 @!p0 $0x1;
	_ =	shalt  }
.Lfunc_end2:
_tile_overlayer_lowered:
.L_overlay_start_2:
0x11e: {  	(tag) =	ssettag $0x2  }
0x11f: {  	s0 =	rddreg [dreg:$0x0];
	s2 =	stileid.u32  }
0x120: {  	s1 =	rddreg [dreg:$0x1];
	p0 =	sne.s32 s2, $0x0  }
0x121: {  	s3 =	rddreg [dreg:$0x2];
	[bflag:$0x3] =	sbarrier.arrive $0xFFFF;
	s2 =	simm.s32 @!p0 $0x1C02  }
0x122: {  	[timem:s3], [sflag:s2] =	dma.local @!p0 [hbm:s0], s1  }
0x123: {  	s0 =	simm.s32 @!p0 $0x2  }
0x124: {  	_ =	swait.ge @!p0 [sflag:s0], s1  }
0x125: {  	s1 =	ssub.s32 @!p0 $0x0, s1;
	[sflag:s0] =	ssyncset.done @!p0 $0x0  }
0x126: {  	[sflag:s0] =	ssyncadd.s32 @!p0 s1  }
0x127: {  	[bflag:$0x3] =	sbarrier.arrive $0xFFFF  }
0x128: {  	_ =	shalt  }

</sc_bundles>
